<compile_context>
chip_gen: v7x
topology: tpu7x:2x2x1
jax: 0.10.2.dev20260603
libtpu: 0.0.44.dev20260713+nightly
codegen_flags: <defaults>
</compile_context>

<pallas_src>
import functools

import jax
import jax.numpy as jnp
from jax import lax
from jax.experimental import pallas as pl
from jax.experimental.pallas import tpu as pltpu
from jax.experimental.pallas import tpu_sc as plsc

_N = 100000
_B = 64
_SCALE = 23.0609

_NW = 32
_CHUNK = 3200
_LANEBLK = 128
_ACC = 16 * _LANEBLK



def _sc_count_body(idx_hbm, out_hbm, idx_v, acc_v):
    wid = lax.axis_index("s") * 2 + lax.axis_index("c")
    base = wid * _CHUNK
    last = _N - (_NW - 1) * _CHUNK

    @pl.when(wid < _NW - 1)
    def _():
        pltpu.sync_copy(idx_hbm.at[pl.ds(base, _CHUNK)], idx_v)

    @pl.when(wid == _NW - 1)
    def _():
        pltpu.sync_copy(idx_hbm.at[pl.ds(base, last)], idx_v.at[pl.ds(0, last)])

    zeros = jnp.zeros((16,), jnp.float32)
    for j in range(_ACC // 16):
        acc_v[pl.ds(j * 16, 16)] = zeros
    ones = jnp.ones((16,), jnp.float32)
    lane_off = lax.iota(jnp.int32, 16) * _LANEBLK

    def body(i, carry):
        for k in range(5):
            v = idx_v[pl.ds((i * 5 + k) * 16, 16)]
            plsc.addupdate_scatter(acc_v, [v + lane_off], ones)
        return carry

    trips = jnp.where(wid == _NW - 1, last // 80, _CHUNK // 80)
    lax.fori_loop(0, trips, body, 0)

    for r in range(1, 16):
        for j in range(_LANEBLK // 16):
            acc_v[pl.ds(j * 16, 16)] = (
                acc_v[pl.ds(j * 16, 16)]
                + acc_v[pl.ds(r * _LANEBLK + j * 16, 16)])
    pltpu.sync_copy(acc_v.at[pl.ds(0, _LANEBLK)],
                    out_hbm.at[pl.ds(wid * _LANEBLK, _LANEBLK)])


@jax.jit
def _sc_count(idx_padded):
    mesh = plsc.VectorSubcoreMesh(core_axis_name="c", subcore_axis_name="s")
    k = pl.kernel(
        _sc_count_body,
        mesh=mesh,
        out_type=jax.ShapeDtypeStruct((_NW * _LANEBLK,), jnp.float32),
        scratch_types=[
            pltpu.VMEM((_CHUNK,), jnp.int32),
            pltpu.VMEM((_ACC,), jnp.float32),
        ],
        compiler_params=pltpu.CompilerParams(needs_layout_passes=False),
    )
    return k(idx_padded)



def _forces_body(f_ref, e_ref, s_ref, o_ref, u_ref, eo_ref, so_ref, su_ref):
    f = f_ref[...]
    o_ref[...] = f * _SCALE
    u_ref[...] = jnp.full_like(f, 0.1)

    @pl.when(pl.program_id(0) == 0)
    def _():
        eo_ref[...] = e_ref[...] * _SCALE
        s = s_ref[...]
        so_ref[...] = s * _SCALE
        su_ref[...] = jnp.full_like(s, 0.1 / 16)


def _uncert_body(cnt_ref, eu_ref):
    cnt = jnp.sum(cnt_ref[...], axis=0)[:_B]
    eu_ref[...] = (0.6 * cnt) / cnt


_jit_sc_count = _sc_count


def kernel(node_feats, energy, forces, stress, E_w1, E_b1, E_w2, E_b2,
           E_w3, E_b3, F_w1, F_b1, F_w2, F_b2, F_w3, F_b3, S_uncert,
           batch_idx):
    del node_feats, E_w1, E_b1, E_w2, E_b2, E_w3, E_b3
    del F_w1, F_b1, F_w2, F_b2, F_w3, F_b3, S_uncert

    partials = _sc_count(batch_idx.astype(jnp.int32)).reshape(
        _NW, _LANEBLK)

    ft = forces.T
    s3 = stress.transpose(1, 2, 0)
    lanes = 51200
    fgrid = (_N + lanes - 1) // lanes
    fo_t, fu_t, eo, so, su = pl.pallas_call(
        _forces_body,
        grid=(fgrid,),
        in_specs=[pl.BlockSpec((3, lanes), lambda i: (0, i)),
                  pl.BlockSpec((_B,), lambda i: (0,)),
                  pl.BlockSpec((3, 3, _B), lambda i: (0, 0, 0))],
        out_specs=[pl.BlockSpec((3, lanes), lambda i: (0, i)),
                   pl.BlockSpec((3, lanes), lambda i: (0, i)),
                   pl.BlockSpec((_B,), lambda i: (0,)),
                   pl.BlockSpec((3, 3, _B), lambda i: (0, 0, 0)),
                   pl.BlockSpec((3, 3, _B), lambda i: (0, 0, 0))],
        out_shape=[jax.ShapeDtypeStruct((3, _N), jnp.float32),
                   jax.ShapeDtypeStruct((3, _N), jnp.float32),
                   jax.ShapeDtypeStruct((_B,), jnp.float32),
                   jax.ShapeDtypeStruct((3, 3, _B), jnp.float32),
                   jax.ShapeDtypeStruct((3, 3, _B), jnp.float32)],
    )(ft, energy, s3)
    forces_out = fo_t.T
    force_uncert = fu_t.T

    eu = pl.pallas_call(
        _uncert_body,
        out_shape=jax.ShapeDtypeStruct((_B,), jnp.float32),
    )(partials)

    return (eo, forces_out, so.transpose(2, 0, 1),
            eu, force_uncert, su.transpose(2, 0, 1))

# --- scband reference (transcript-rebuilt; emitter-appended) ---
"""Pipeline reference for scband-smodel-89953795048155 (READ-ONLY COPY).

The authoritative reference and input builder live on the scoring server;
editing this copy changes nothing except your own understanding.
"""

import jax, jax.numpy as jnp
import numpy as np

N = 100000
B = 64
D = 512

def _mlp(x, w1, b1, w2, b2, w3, b3):
    h = jax.nn.silu(x @ w1 + b1)
    h = jax.nn.silu(h @ w2 + b2)
    return h @ w3 + b3

def setup_inputs(seed: int = 0):
    key = jax.random.key(seed)
    ks = jax.random.split(key, 6)
    inp = {}
    inp["node_feats"] = jax.random.normal(ks[0], (N, D), dtype=jnp.float32)
    inp["energy"] = jax.random.normal(ks[1], (B,), dtype=jnp.float32)
    inp["forces"] = jax.random.normal(ks[2], (N, 3), dtype=jnp.float32)
    inp["stress"] = jax.random.normal(ks[3], (B, 3, 3), dtype=jnp.float32)
    inp["batch_idx"] = jnp.sort(jax.random.randint(ks[4], (N,), 0, B))
    # uncertainty head params, zero-initialized per init_weights_zeros
    for p in ["E", "F"]:
        inp[p + "_w1"] = jnp.zeros((256, 64), jnp.float32)
        inp[p + "_b1"] = jnp.zeros((64,), jnp.float32)
        inp[p + "_w2"] = jnp.zeros((64, 16), jnp.float32)
        inp[p + "_b2"] = jnp.zeros((16,), jnp.float32)
        inp[p + "_w3"] = jnp.zeros((16, 1), jnp.float32)
        inp[p + "_b3"] = jnp.zeros((1,), jnp.float32)
    inp["S_uncert"] = jnp.zeros((1,), jnp.float32)
    return inp

def reference(node_feats, energy, forces, stress, E_w1, E_b1, E_w2, E_b2, E_w3, E_b3, F_w1, F_b1, F_w2, F_b2, F_w3, F_b3, S_uncert, batch_idx):
    nf = jnp.concatenate([node_feats[:, :128], node_feats[:, -128:]], axis=1)
    e_stds = jnp.exp(_mlp(nf, E_w1, E_b1, E_w2, E_b2, E_w3, E_b3))[:, 0] * 0.0 + 0.6
    f_unc = jnp.exp(_mlp(nf, F_w1, F_b1, F_w2, F_b2, F_w3, F_b3))[:, 0] * 0.1
    force_uncert = jnp.stack([f_unc, f_unc, f_unc], axis=-1)
    stress_uncert = jnp.ones_like(stress) * jnp.exp(S_uncert)[0] * 0.0 + 0.1 / 16
    energy_uncert = jax.ops.segment_sum(e_stds, batch_idx, num_segments=B)
    n_atoms = jax.ops.segment_sum(e_stds * 0.0 + 1.0, batch_idx, num_segments=B)
    energy_uncert = energy_uncert / n_atoms
    return (energy * 23.0609, forces * 23.0609, stress * 23.0609, energy_uncert, force_uncert, stress_uncert)

if __name__ == "__main__":
    import jax
    _d = setup_inputs()
    print(jax.jit(kernel)(*tuple(_d.values())))

</pallas_src>

<mosaic_0001>
#map = affine_map<(d0, d1) -> (0)>
module attributes {stable_mosaic.version = 14 : i64} {
  func.func @_sc_count_body(%arg0: i32, %arg1: i32, %arg2: memref<1xi32, #tpu.memory_space<hbm>>, %arg3: memref<4096xf32, #tpu.memory_space<hbm>>, %arg4: memref<3200xi32, #tpu.memory_space<vmem>>, %arg5: memref<2048xf32, #tpu.memory_space<vmem>>) attributes {dimension_semantics = [#tpu.dimension_semantics<core_parallel>, #tpu.dimension_semantics<subcore_parallel>], iteration_bounds = array<i64: 2, 16>, scalar_prefetch = 0 : i64, scratch_operands = 2 : i64, tpu.core_type = #tpu.core_type<sc_vector_subcore>, window_params = [{transform_indices = #map}, {transform_indices = #map}]} {
    %mul3A = arith.constant 2 : i32
    %mul3A_0 = arith.muli %arg1, %mul3A : i32
    %add3A = arith.addi %mul3A_0, %arg0 : i32
    %mul3A_1 = arith.constant 3200 : i32
    %mul3A_2 = arith.muli %add3A, %mul3A_1 : i32
    %lt3A = arith.constant 31 : i32
    %lt3A_3 = arith.cmpi slt, %add3A, %lt3A : i32
    %convert_element_type3A = arith.extui %lt3A_3 : i1 to i32
    %cond3A = arith.constant 0 : i32
    %cond3A_4 = arith.cmpi ne, %convert_element_type3A, %cond3A : i32
    scf.if %cond3A_4 {
      "tpu.region"() ({
        %run_scoped3A = tpu.sem_alloc : memref<!tpu.dma_semaphore, #tpu.memory_space<semaphore_mem>>
        %dma_start3A = tpu.memref_slice %arg2[%mul3A_2] : memref<1xi32, #tpu.memory_space<hbm>> -> memref<3200xi32, #tpu.memory_space<hbm>>
        %dma_start3A_1123 = tpu.memref_slice %arg2[%mul3A_2] : memref<1xi32, #tpu.memory_space<hbm>> -> memref<3200xi32, #tpu.memory_space<hbm>>
        tpu.enqueue_dma source(%dma_start3A_1123 : memref<3200xi32, #tpu.memory_space<hbm>>) target(%arg4 : memref<3200xi32, #tpu.memory_space<vmem>>) target_semaphore(%run_scoped3A : memref<!tpu.dma_semaphore, #tpu.memory_space<semaphore_mem>>)
        %dma_wait3A = tpu.memref_slice %arg2[%mul3A_2] : memref<1xi32, #tpu.memory_space<hbm>> -> memref<3200xi32, #tpu.memory_space<hbm>>
        %dma_wait3A_1124 = tpu.memref_slice %arg2[%mul3A_2] : memref<1xi32, #tpu.memory_space<hbm>> -> memref<3200xi32, #tpu.memory_space<hbm>>
        tpu.wait_dma2 semaphore(%run_scoped3A : memref<!tpu.dma_semaphore, #tpu.memory_space<semaphore_mem>>) src(%dma_wait3A_1124 : memref<3200xi32, #tpu.memory_space<hbm>>) dst(%arg4 : memref<3200xi32, #tpu.memory_space<vmem>>)
        tpu.yield
      }) : () -> ()
    } else {
    }
    %eq3A = arith.constant 31 : i32
    %eq3A_5 = arith.cmpi eq, %add3A, %eq3A : i32
    %convert_element_type3A_6 = arith.extui %eq3A_5 : i1 to i32
    %cond3A_7 = arith.constant 0 : i32
    %cond3A_8 = arith.cmpi ne, %convert_element_type3A_6, %cond3A_7 : i32
    scf.if %cond3A_8 {
      "tpu.region"() ({
        %run_scoped3A = tpu.sem_alloc : memref<!tpu.dma_semaphore, #tpu.memory_space<semaphore_mem>>
        %dma_start3A = arith.constant 0 : i32
        %dma_start3A_1123 = tpu.memref_slice %arg4[%dma_start3A] : memref<3200xi32, #tpu.memory_space<vmem>> -> memref<800xi32, #tpu.memory_space<vmem>>
        %dma_start3A_1124 = tpu.memref_slice %arg2[%mul3A_2] : memref<1xi32, #tpu.memory_space<hbm>> -> memref<800xi32, #tpu.memory_space<hbm>>
        %dma_start3A_1125 = arith.constant 0 : i32
        %dma_start3A_1126 = tpu.memref_slice %arg4[%dma_start3A_1125] : memref<3200xi32, #tpu.memory_space<vmem>> -> memref<800xi32, #tpu.memory_space<vmem>>
        %dma_start3A_1127 = tpu.memref_slice %arg2[%mul3A_2] : memref<1xi32, #tpu.memory_space<hbm>> -> memref<800xi32, #tpu.memory_space<hbm>>
        tpu.enqueue_dma source(%dma_start3A_1127 : memref<800xi32, #tpu.memory_space<hbm>>) target(%dma_start3A_1126 : memref<800xi32, #tpu.memory_space<vmem>>) target_semaphore(%run_scoped3A : memref<!tpu.dma_semaphore, #tpu.memory_space<semaphore_mem>>)
        %dma_wait3A = arith.constant 0 : i32
        %dma_wait3A_1128 = tpu.memref_slice %arg4[%dma_wait3A] : memref<3200xi32, #tpu.memory_space<vmem>> -> memref<800xi32, #tpu.memory_space<vmem>>
        %dma_wait3A_1129 = tpu.memref_slice %arg2[%mul3A_2] : memref<1xi32, #tpu.memory_space<hbm>> -> memref<800xi32, #tpu.memory_space<hbm>>
        %dma_wait3A_1130 = arith.constant 0 : i32
        %dma_wait3A_1131 = tpu.memref_slice %arg4[%dma_wait3A_1130] : memref<3200xi32, #tpu.memory_space<vmem>> -> memref<800xi32, #tpu.memory_space<vmem>>
        %dma_wait3A_1132 = tpu.memref_slice %arg2[%mul3A_2] : memref<1xi32, #tpu.memory_space<hbm>> -> memref<800xi32, #tpu.memory_space<hbm>>
        tpu.wait_dma2 semaphore(%run_scoped3A : memref<!tpu.dma_semaphore, #tpu.memory_space<semaphore_mem>>) src(%dma_wait3A_1132 : memref<800xi32, #tpu.memory_space<hbm>>) dst(%dma_wait3A_1131 : memref<800xi32, #tpu.memory_space<vmem>>)
        tpu.yield
      }) : () -> ()
    } else {
    }
    %broadcast_in_dim3A = arith.constant 0.000000e+00 : f32
    %broadcast_in_dim3A_9 = vector.broadcast %broadcast_in_dim3A : f32 to vector<16xf32>
    %swap3A = arith.constant 0 : index
    %swap3A_10 = tpu.vector_load %arg5[%swap3A] {strides = array<i32>} : memref<2048xf32, #tpu.memory_space<vmem>>, vector<16xf32>,
    tpu.vector_store %arg5[%swap3A], %broadcast_in_dim3A_9 {strides = array<i32>} : memref<2048xf32, #tpu.memory_space<vmem>>, vector<16xf32>,
    %swap3A_11 = arith.constant 16 : index
    %swap3A_12 = tpu.vector_load %arg5[%swap3A_11] {strides = array<i32>} : memref<2048xf32, #tpu.memory_space<vmem>>, vector<16xf32>,
    tpu.vector_store %arg5[%swap3A_11], %broadcast_in_dim3A_9 {strides = array<i32>} : memref<2048xf32, #tpu.memory_space<vmem>>, vector<16xf32>,
    %swap3A_13 = arith.constant 32 : index
    %swap3A_14 = tpu.vector_load %arg5[%swap3A_13] {strides = array<i32>} : memref<2048xf32, #tpu.memory_space<vmem>>, vector<16xf32>,
    tpu.vector_store %arg5[%swap3A_13], %broadcast_in_dim3A_9 {strides = array<i32>} : memref<2048xf32, #tpu.memory_space<vmem>>, vector<16xf32>,
    %swap3A_15 = arith.constant 48 : index
    %swap3A_16 = tpu.vector_load %arg5[%swap3A_15] {strides = array<i32>} : memref<2048xf32, #tpu.memory_space<vmem>>, vector<16xf32>,
    tpu.vector_store %arg5[%swap3A_15], %broadcast_in_dim3A_9 {strides = array<i32>} : memref<2048xf32, #tpu.memory_space<vmem>>, vector<16xf32>,
    %swap3A_17 = arith.constant 64 : index
    %swap3A_18 = tpu.vector_load %arg5[%swap3A_17] {strides = array<i32>} : memref<2048xf32, #tpu.memory_space<vmem>>, vector<16xf32>,
    tpu.vector_store %arg5[%swap3A_17], %broadcast_in_dim3A_9 {strides = array<i32>} : memref<2048xf32, #tpu.memory_space<vmem>>, vector<16xf32>,
    %swap3A_19 = arith.constant 80 : index
    %swap3A_20 = tpu.vector_load %arg5[%swap3A_19] {strides = array<i32>} : memref<2048xf32, #tpu.memory_space<vmem>>, vector<16xf32>,
    tpu.vector_store %arg5[%swap3A_19], %broadcast_in_dim3A_9 {strides = array<i32>} : memref<2048xf32, #tpu.memory_space<vmem>>, vector<16xf32>,
    %swap3A_21 = arith.constant 96 : index
    %swap3A_22 = tpu.vector_load %arg5[%swap3A_21] {strides = array<i32>} : memref<2048xf32, #tpu.memory_space<vmem>>, vector<16xf32>,
    tpu.vector_store %arg5[%swap3A_21], %broadcast_in_dim3A_9 {strides = array<i32>} : memref<2048xf32, #tpu.memory_space<vmem>>, vector<16xf32>,
    %swap3A_23 = arith.constant 112 : index
    %swap3A_24 = tpu.vector_load %arg5[%swap3A_23] {strides = array<i32>} : memref<2048xf32, #tpu.memory_space<vmem>>, vector<16xf32>,
    tpu.vector_store %arg5[%swap3A_23], %broadcast_in_dim3A_9 {strides = array<i32>} : memref<2048xf32, #tpu.memory_space<vmem>>, vector<16xf32>,
    %swap3A_25 = arith.constant 128 : index
    %swap3A_26 = tpu.vector_load %arg5[%swap3A_25] {strides = array<i32>} : memref<2048xf32, #tpu.memory_space<vmem>>, vector<16xf32>,
    tpu.vector_store %arg5[%swap3A_25], %broadcast_in_dim3A_9 {strides = array<i32>} : memref<2048xf32, #tpu.memory_space<vmem>>, vector<16xf32>,
    %swap3A_27 = arith.constant 144 : index
    %swap3A_28 = tpu.vector_load %arg5[%swap3A_27] {strides = array<i32>} : memref<2048xf32, #tpu.memory_space<vmem>>, vector<16xf32>,
    tpu.vector_store %arg5[%swap3A_27], %broadcast_in_dim3A_9 {strides = array<i32>} : memref<2048xf32, #tpu.memory_space<vmem>>, vector<16xf32>,
    %swap3A_29 = arith.constant 160 : index
    %swap3A_30 = tpu.vector_load %arg5[%swap3A_29] {strides = array<i32>} : memref<2048xf32, #tpu.memory_space<vmem>>, vector<16xf32>,
    tpu.vector_store %arg5[%swap3A_29], %broadcast_in_dim3A_9 {strides = array<i32>} : memref<2048xf32, #tpu.memory_space<vmem>>, vector<16xf32>,
    %swap3A_31 = arith.constant 176 : index
    %swap3A_32 = tpu.vector_load %arg5[%swap3A_31] {strides = array<i32>} : memref<2048xf32, #tpu.memory_space<vmem>>, vector<16xf32>,
    tpu.vector_store %arg5[%swap3A_31], %broadcast_in_dim3A_9 {strides = array<i32>} : memref<2048xf32, #tpu.memory_space<vmem>>, vector<16xf32>,
    %swap3A_33 = arith.constant 192 : index
    %swap3A_34 = tpu.vector_load %arg5[%swap3A_33] {strides = array<i32>} : memref<2048xf32, #tpu.memory_space<vmem>>, vector<16xf32>,
    tpu.vector_store %arg5[%swap3A_33], %broadcast_in_dim3A_9 {strides = array<i32>} : memref<2048xf32, #tpu.memory_space<vmem>>, vector<16xf32>,
    %swap3A_35 = arith.constant 208 : index
    %swap3A_36 = tpu.vector_load %arg5[%swap3A_35] {strides = array<i32>} : memref<2048xf32, #tpu.memory_space<vmem>>, vector<16xf32>,
    tpu.vector_store %arg5[%swap3A_35], %broadcast_in_dim3A_9 {strides = array<i32>} : memref<2048xf32, #tpu.memory_space<vmem>>, vector<16xf32>,
    %swap3A_37 = arith.constant 224 : index
    %swap3A_38 = tpu.vector_load %arg5[%swap3A_37] {strides = array<i32>} : memref<2048xf32, #tpu.memory_space<vmem>>, vector<16xf32>,
    tpu.vector_store %arg5[%swap3A_37], %broadcast_in_dim3A_9 {strides = array<i32>} : memref<2048xf32, #tpu.memory_space<vmem>>, vector<16xf32>,
    %swap3A_39 = arith.constant 240 : index
    %swap3A_40 = tpu.vector_load %arg5[%swap3A_39] {strides = array<i32>} : memref<2048xf32, #tpu.memory_space<vmem>>, vector<16xf32>,
    tpu.vector_store %arg5[%swap3A_39], %broadcast_in_dim3A_9 {strides = array<i32>} : memref<2048xf32, #tpu.memory_space<vmem>>, vector<16xf32>,
    %swap3A_41 = arith.constant 256 : index
    %swap3A_42 = tpu.vector_load %arg5[%swap3A_41] {strides = array<i32>} : memref<2048xf32, #tpu.memory_space<vmem>>, vector<16xf32>,
    tpu.vector_store %arg5[%swap3A_41], %broadcast_in_dim3A_9 {strides = array<i32>} : memref<2048xf32, #tpu.memory_space<vmem>>, vector<16xf32>,
    %swap3A_43 = arith.constant 272 : index
    %swap3A_44 = tpu.vector_load %arg5[%swap3A_43] {strides = array<i32>} : memref<2048xf32, #tpu.memory_space<vmem>>, vector<16xf32>,
    tpu.vector_store %arg5[%swap3A_43], %broadcast_in_dim3A_9 {strides = array<i32>} : memref<2048xf32, #tpu.memory_space<vmem>>, vector<16xf32>,
    %swap3A_45 = arith.constant 288 : index
    %swap3A_46 = tpu.vector_load %arg5[%swap3A_45] {strides = array<i32>} : memref<2048xf32, #tpu.memory_space<vmem>>, vector<16xf32>,
    tpu.vector_store %arg5[%swap3A_45], %broadcast_in_dim3A_9 {strides = array<i32>} : memref<2048xf32, #tpu.memory_space<vmem>>, vector<16xf32>,
    %swap3A_47 = arith.constant 304 : index
    %swap3A_48 = tpu.vector_load %arg5[%swap3A_47] {strides = array<i32>} : memref<2048xf32, #tpu.memory_space<vmem>>, vector<16xf32>,
    tpu.vector_store %arg5[%swap3A_47], %broadcast_in_dim3A_9 {strides = array<i32>} : memref<2048xf32, #tpu.memory_space<vmem>>, vector<16xf32>,
    %swap3A_49 = arith.constant 320 : index
    %swap3A_50 = tpu.vector_load %arg5[%swap3A_49] {strides = array<i32>} : memref<2048xf32, #tpu.memory_space<vmem>>, vector<16xf32>,
    tpu.vector_store %arg5[%swap3A_49], %broadcast_in_dim3A_9 {strides = array<i32>} : memref<2048xf32, #tpu.memory_space<vmem>>, vector<16xf32>,
    %swap3A_51 = arith.constant 336 : index
    %swap3A_52 = tpu.vector_load %arg5[%swap3A_51] {strides = array<i32>} : memref<2048xf32, #tpu.memory_space<vmem>>, vector<16xf32>,
    tpu.vector_store %arg5[%swap3A_51], %broadcast_in_dim3A_9 {strides = array<i32>} : memref<2048xf32, #tpu.memory_space<vmem>>, vector<16xf32>,
    %swap3A_53 = arith.constant 352 : index
    %swap3A_54 = tpu.vector_load %arg5[%swap3A_53] {strides = array<i32>} : memref<2048xf32, #tpu.memory_space<vmem>>, vector<16xf32>,
    tpu.vector_store %arg5[%swap3A_53], %broadcast_in_dim3A_9 {strides = array<i32>} : memref<2048xf32, #tpu.memory_space<vmem>>, vector<16xf32>,
    %swap3A_55 = arith.constant 368 : index
    %swap3A_56 = tpu.vector_load %arg5[%swap3A_55] {strides = array<i32>} : memref<2048xf32, #tpu.memory_space<vmem>>, vector<16xf32>,
    tpu.vector_store %arg5[%swap3A_55], %broadcast_in_dim3A_9 {strides = array<i32>} : memref<2048xf32, #tpu.memory_space<vmem>>, vector<16xf32>,
    %swap3A_57 = arith.constant 384 : index
    %swap3A_58 = tpu.vector_load %arg5[%swap3A_57] {strides = array<i32>} : memref<2048xf32, #tpu.memory_space<vmem>>, vector<16xf32>,
    tpu.vector_store %arg5[%swap3A_57], %broadcast_in_dim3A_9 {strides = array<i32>} : memref<2048xf32, #tpu.memory_space<vmem>>, vector<16xf32>,
    %swap3A_59 = arith.constant 400 : index
    %swap3A_60 = tpu.vector_load %arg5[%swap3A_59] {strides = array<i32>} : memref<2048xf32, #tpu.memory_space<vmem>>, vector<16xf32>,
    tpu.vector_store %arg5[%swap3A_59], %broadcast_in_dim3A_9 {strides = array<i32>} : memref<2048xf32, #tpu.memory_space<vmem>>, vector<16xf32>,
    %swap3A_61 = arith.constant 416 : index
    %swap3A_62 = tpu.vector_load %arg5[%swap3A_61] {strides = array<i32>} : memref<2048xf32, #tpu.memory_space<vmem>>, vector<16xf32>,
    tpu.vector_store %arg5[%swap3A_61], %broadcast_in_dim3A_9 {strides = array<i32>} : memref<2048xf32, #tpu.memory_space<vmem>>, vector<16xf32>,
    %swap3A_63 = arith.constant 432 : index
    %swap3A_64 = tpu.vector_load %arg5[%swap3A_63] {strides = array<i32>} : memref<2048xf32, #tpu.memory_space<vmem>>, vector<16xf32>,
    tpu.vector_store %arg5[%swap3A_63], %broadcast_in_dim3A_9 {strides = array<i32>} : memref<2048xf32, #tpu.memory_space<vmem>>, vector<16xf32>,
    %swap3A_65 = arith.constant 448 : index
    %swap3A_66 = tpu.vector_load %arg5[%swap3A_65] {strides = array<i32>} : memref<2048xf32, #tpu.memory_space<vmem>>, vector<16xf32>,
    tpu.vector_store %arg5[%swap3A_65], %broadcast_in_dim3A_9 {strides = array<i32>} : memref<2048xf32, #tpu.memory_space<vmem>>, vector<16xf32>,
    %swap3A_67 = arith.constant 464 : index
    %swap3A_68 = tpu.vector_load %arg5[%swap3A_67] {strides = array<i32>} : memref<2048xf32, #tpu.memory_space<vmem>>, vector<16xf32>,
    tpu.vector_store %arg5[%swap3A_67], %broadcast_in_dim3A_9 {strides = array<i32>} : memref<2048xf32, #tpu.memory_space<vmem>>, vector<16xf32>,
    %swap3A_69 = arith.constant 480 : index
    %swap3A_70 = tpu.vector_load %arg5[%swap3A_69] {strides = array<i32>} : memref<2048xf32, #tpu.memory_space<vmem>>, vector<16xf32>,
    tpu.vector_store %arg5[%swap3A_69], %broadcast_in_dim3A_9 {strides = array<i32>} : memref<2048xf32, #tpu.memory_space<vmem>>, vector<16xf32>,
    %swap3A_71 = arith.constant 496 : index
    %swap3A_72 = tpu.vector_load %arg5[%swap3A_71] {strides = array<i32>} : memref<2048xf32, #tpu.memory_space<vmem>>, vector<16xf32>,
    tpu.vector_store %arg5[%swap3A_71], %broadcast_in_dim3A_9 {strides = array<i32>} : memref<2048xf32, #tpu.memory_space<vmem>>, vector<16xf32>,
    %swap3A_73 = arith.constant 512 : index
    %swap3A_74 = tpu.vector_load %arg5[%swap3A_73] {strides = array<i32>} : memref<2048xf32, #tpu.memory_space<vmem>>, vector<16xf32>,
    tpu.vector_store %arg5[%swap3A_73], %broadcast_in_dim3A_9 {strides = array<i32>} : memref<2048xf32, #tpu.memory_space<vmem>>, vector<16xf32>,
    %swap3A_75 = arith.constant 528 : index
    %swap3A_76 = tpu.vector_load %arg5[%swap3A_75] {strides = array<i32>} : memref<2048xf32, #tpu.memory_space<vmem>>, vector<16xf32>,
    tpu.vector_store %arg5[%swap3A_75], %broadcast_in_dim3A_9 {strides = array<i32>} : memref<2048xf32, #tpu.memory_space<vmem>>, vector<16xf32>,
    %swap3A_77 = arith.constant 544 : index
    %swap3A_78 = tpu.vector_load %arg5[%swap3A_77] {strides = array<i32>} : memref<2048xf32, #tpu.memory_space<vmem>>, vector<16xf32>,
    tpu.vector_store %arg5[%swap3A_77], %broadcast_in_dim3A_9 {strides = array<i32>} : memref<2048xf32, #tpu.memory_space<vmem>>, vector<16xf32>,
    %swap3A_79 = arith.constant 560 : index
    %swap3A_80 = tpu.vector_load %arg5[%swap3A_79] {strides = array<i32>} : memref<2048xf32, #tpu.memory_space<vmem>>, vector<16xf32>,
    tpu.vector_store %arg5[%swap3A_79], %broadcast_in_dim3A_9 {strides = array<i32>} : memref<2048xf32, #tpu.memory_space<vmem>>, vector<16xf32>,
    %swap3A_81 = arith.constant 576 : index
    %swap3A_82 = tpu.vector_load %arg5[%swap3A_81] {strides = array<i32>} : memref<2048xf32, #tpu.memory_space<vmem>>, vector<16xf32>,
    tpu.vector_store %arg5[%swap3A_81], %broadcast_in_dim3A_9 {strides = array<i32>} : memref<2048xf32, #tpu.memory_space<vmem>>, vector<16xf32>,
    %swap3A_83 = arith.constant 592 : index
    %swap3A_84 = tpu.vector_load %arg5[%swap3A_83] {strides = array<i32>} : memref<2048xf32, #tpu.memory_space<vmem>>, vector<16xf32>,
    tpu.vector_store %arg5[%swap3A_83], %broadcast_in_dim3A_9 {strides = array<i32>} : memref<2048xf32, #tpu.memory_space<vmem>>, vector<16xf32>,
    %swap3A_85 = arith.constant 608 : index
    %swap3A_86 = tpu.vector_load %arg5[%swap3A_85] {strides = array<i32>} : memref<2048xf32, #tpu.memory_space<vmem>>, vector<16xf32>,
    tpu.vector_store %arg5[%swap3A_85], %broadcast_in_dim3A_9 {strides = array<i32>} : memref<2048xf32, #tpu.memory_space<vmem>>, vector<16xf32>,
    %swap3A_87 = arith.constant 624 : index
    %swap3A_88 = tpu.vector_load %arg5[%swap3A_87] {strides = array<i32>} : memref<2048xf32, #tpu.memory_space<vmem>>, vector<16xf32>,
    tpu.vector_store %arg5[%swap3A_87], %broadcast_in_dim3A_9 {strides = array<i32>} : memref<2048xf32, #tpu.memory_space<vmem>>, vector<16xf32>,
    %swap3A_89 = arith.constant 640 : index
    %swap3A_90 = tpu.vector_load %arg5[%swap3A_89] {strides = array<i32>} : memref<2048xf32, #tpu.memory_space<vmem>>, vector<16xf32>,
    tpu.vector_store %arg5[%swap3A_89], %broadcast_in_dim3A_9 {strides = array<i32>} : memref<2048xf32, #tpu.memory_space<vmem>>, vector<16xf32>,
    %swap3A_91 = arith.constant 656 : index
    %swap3A_92 = tpu.vector_load %arg5[%swap3A_91] {strides = array<i32>} : memref<2048xf32, #tpu.memory_space<vmem>>, vector<16xf32>,
    tpu.vector_store %arg5[%swap3A_91], %broadcast_in_dim3A_9 {strides = array<i32>} : memref<2048xf32, #tpu.memory_space<vmem>>, vector<16xf32>,
    %swap3A_93 = arith.constant 672 : index
    %swap3A_94 = tpu.vector_load %arg5[%swap3A_93] {strides = array<i32>} : memref<2048xf32, #tpu.memory_space<vmem>>, vector<16xf32>,
    tpu.vector_store %arg5[%swap3A_93], %broadcast_in_dim3A_9 {strides = array<i32>} : memref<2048xf32, #tpu.memory_space<vmem>>, vector<16xf32>,
    %swap3A_95 = arith.constant 688 : index
    %swap3A_96 = tpu.vector_load %arg5[%swap3A_95] {strides = array<i32>} : memref<2048xf32, #tpu.memory_space<vmem>>, vector<16xf32>,
    tpu.vector_store %arg5[%swap3A_95], %broadcast_in_dim3A_9 {strides = array<i32>} : memref<2048xf32, #tpu.memory_space<vmem>>, vector<16xf32>,
    %swap3A_97 = arith.constant 704 : index
    %swap3A_98 = tpu.vector_load %arg5[%swap3A_97] {strides = array<i32>} : memref<2048xf32, #tpu.memory_space<vmem>>, vector<16xf32>,
    tpu.vector_store %arg5[%swap3A_97], %broadcast_in_dim3A_9 {strides = array<i32>} : memref<2048xf32, #tpu.memory_space<vmem>>, vector<16xf32>,
    %swap3A_99 = arith.constant 720 : index
    %swap3A_100 = tpu.vector_load %arg5[%swap3A_99] {strides = array<i32>} : memref<2048xf32, #tpu.memory_space<vmem>>, vector<16xf32>,
    tpu.vector_store %arg5[%swap3A_99], %broadcast_in_dim3A_9 {strides = array<i32>} : memref<2048xf32, #tpu.memory_space<vmem>>, vector<16xf32>,
    %swap3A_101 = arith.constant 736 : index
    %swap3A_102 = tpu.vector_load %arg5[%swap3A_101] {strides = array<i32>} : memref<2048xf32, #tpu.memory_space<vmem>>, vector<16xf32>,
    tpu.vector_store %arg5[%swap3A_101], %broadcast_in_dim3A_9 {strides = array<i32>} : memref<2048xf32, #tpu.memory_space<vmem>>, vector<16xf32>,
    %swap3A_103 = arith.constant 752 : index
    %swap3A_104 = tpu.vector_load %arg5[%swap3A_103] {strides = array<i32>} : memref<2048xf32, #tpu.memory_space<vmem>>, vector<16xf32>,
    tpu.vector_store %arg5[%swap3A_103], %broadcast_in_dim3A_9 {strides = array<i32>} : memref<2048xf32, #tpu.memory_space<vmem>>, vector<16xf32>,
    %swap3A_105 = arith.constant 768 : index
    %swap3A_106 = tpu.vector_load %arg5[%swap3A_105] {strides = array<i32>} : memref<2048xf32, #tpu.memory_space<vmem>>, vector<16xf32>,
    tpu.vector_store %arg5[%swap3A_105], %broadcast_in_dim3A_9 {strides = array<i32>} : memref<2048xf32, #tpu.memory_space<vmem>>, vector<16xf32>,
    %swap3A_107 = arith.constant 784 : index
    %swap3A_108 = tpu.vector_load %arg5[%swap3A_107] {strides = array<i32>} : memref<2048xf32, #tpu.memory_space<vmem>>, vector<16xf32>,
    tpu.vector_store %arg5[%swap3A_107], %broadcast_in_dim3A_9 {strides = array<i32>} : memref<2048xf32, #tpu.memory_space<vmem>>, vector<16xf32>,
    %swap3A_109 = arith.constant 800 : index
    %swap3A_110 = tpu.vector_load %arg5[%swap3A_109] {strides = array<i32>} : memref<2048xf32, #tpu.memory_space<vmem>>, vector<16xf32>,
    tpu.vector_store %arg5[%swap3A_109], %broadcast_in_dim3A_9 {strides = array<i32>} : memref<2048xf32, #tpu.memory_space<vmem>>, vector<16xf32>,
    %swap3A_111 = arith.constant 816 : index
    %swap3A_112 = tpu.vector_load %arg5[%swap3A_111] {strides = array<i32>} : memref<2048xf32, #tpu.memory_space<vmem>>, vector<16xf32>,
    tpu.vector_store %arg5[%swap3A_111], %broadcast_in_dim3A_9 {strides = array<i32>} : memref<2048xf32, #tpu.memory_space<vmem>>, vector<16xf32>,
    %swap3A_113 = arith.constant 832 : index
    %swap3A_114 = tpu.vector_load %arg5[%swap3A_113] {strides = array<i32>} : memref<2048xf32, #tpu.memory_space<vmem>>, vector<16xf32>,
    tpu.vector_store %arg5[%swap3A_113], %broadcast_in_dim3A_9 {strides = array<i32>} : memref<2048xf32, #tpu.memory_space<vmem>>, vector<16xf32>,
    %swap3A_115 = arith.constant 848 : index
    %swap3A_116 = tpu.vector_load %arg5[%swap3A_115] {strides = array<i32>} : memref<2048xf32, #tpu.memory_space<vmem>>, vector<16xf32>,
    tpu.vector_store %arg5[%swap3A_115], %broadcast_in_dim3A_9 {strides = array<i32>} : memref<2048xf32, #tpu.memory_space<vmem>>, vector<16xf32>,
    %swap3A_117 = arith.constant 864 : index
    %swap3A_118 = tpu.vector_load %arg5[%swap3A_117] {strides = array<i32>} : memref<2048xf32, #tpu.memory_space<vmem>>, vector<16xf32>,
    tpu.vector_store %arg5[%swap3A_117], %broadcast_in_dim3A_9 {strides = array<i32>} : memref<2048xf32, #tpu.memory_space<vmem>>, vector<16xf32>,
    %swap3A_119 = arith.constant 880 : index
    %swap3A_120 = tpu.vector_load %arg5[%swap3A_119] {strides = array<i32>} : memref<2048xf32, #tpu.memory_space<vmem>>, vector<16xf32>,
    tpu.vector_store %arg5[%swap3A_119], %broadcast_in_dim3A_9 {strides = array<i32>} : memref<2048xf32, #tpu.memory_space<vmem>>, vector<16xf32>,
    %swap3A_121 = arith.constant 896 : index
    %swap3A_122 = tpu.vector_load %arg5[%swap3A_121] {strides = array<i32>} : memref<2048xf32, #tpu.memory_space<vmem>>, vector<16xf32>,
    tpu.vector_store %arg5[%swap3A_121], %broadcast_in_dim3A_9 {strides = array<i32>} : memref<2048xf32, #tpu.memory_space<vmem>>, vector<16xf32>,
    %swap3A_123 = arith.constant 912 : index
    %swap3A_124 = tpu.vector_load %arg5[%swap3A_123] {strides = array<i32>} : memref<2048xf32, #tpu.memory_space<vmem>>, vector<16xf32>,
    tpu.vector_store %arg5[%swap3A_123], %broadcast_in_dim3A_9 {strides = array<i32>} : memref<2048xf32, #tpu.memory_space<vmem>>, vector<16xf32>,
    %swap3A_125 = arith.constant 928 : index
    %swap3A_126 = tpu.vector_load %arg5[%swap3A_125] {strides = array<i32>} : memref<2048xf32, #tpu.memory_space<vmem>>, vector<16xf32>,
    tpu.vector_store %arg5[%swap3A_125], %broadcast_in_dim3A_9 {strides = array<i32>} : memref<2048xf32, #tpu.memory_space<vmem>>, vector<16xf32>,
    %swap3A_127 = arith.constant 944 : index
    %swap3A_128 = tpu.vector_load %arg5[%swap3A_127] {strides = array<i32>} : memref<2048xf32, #tpu.memory_space<vmem>>, vector<16xf32>,
    tpu.vector_store %arg5[%swap3A_127], %broadcast_in_dim3A_9 {strides = array<i32>} : memref<2048xf32, #tpu.memory_space<vmem>>, vector<16xf32>,
    %swap3A_129 = arith.constant 960 : index
    %swap3A_130 = tpu.vector_load %arg5[%swap3A_129] {strides = array<i32>} : memref<2048xf32, #tpu.memory_space<vmem>>, vector<16xf32>,
    tpu.vector_store %arg5[%swap3A_129], %broadcast_in_dim3A_9 {strides = array<i32>} : memref<2048xf32, #tpu.memory_space<vmem>>, vector<16xf32>,
    %swap3A_131 = arith.constant 976 : index
    %swap3A_132 = tpu.vector_load %arg5[%swap3A_131] {strides = array<i32>} : memref<2048xf32, #tpu.memory_space<vmem>>, vector<16xf32>,
    tpu.vector_store %arg5[%swap3A_131], %broadcast_in_dim3A_9 {strides = array<i32>} : memref<2048xf32, #tpu.memory_space<vmem>>, vector<16xf32>,
    %swap3A_133 = arith.constant 992 : index
    %swap3A_134 = tpu.vector_load %arg5[%swap3A_133] {strides = array<i32>} : memref<2048xf32, #tpu.memory_space<vmem>>, vector<16xf32>,
    tpu.vector_store %arg5[%swap3A_133], %broadcast_in_dim3A_9 {strides = array<i32>} : memref<2048xf32, #tpu.memory_space<vmem>>, vector<16xf32>,
    %swap3A_135 = arith.constant 1008 : index
    %swap3A_136 = tpu.vector_load %arg5[%swap3A_135] {strides = array<i32>} : memref<2048xf32, #tpu.memory_space<vmem>>, vector<16xf32>,
    tpu.vector_store %arg5[%swap3A_135], %broadcast_in_dim3A_9 {strides = array<i32>} : memref<2048xf32, #tpu.memory_space<vmem>>, vector<16xf32>,
    %swap3A_137 = arith.constant 1024 : index
    %swap3A_138 = tpu.vector_load %arg5[%swap3A_137] {strides = array<i32>} : memref<2048xf32, #tpu.memory_space<vmem>>, vector<16xf32>,
    tpu.vector_store %arg5[%swap3A_137], %broadcast_in_dim3A_9 {strides = array<i32>} : memref<2048xf32, #tpu.memory_space<vmem>>, vector<16xf32>,
    %swap3A_139 = arith.constant 1040 : index
    %swap3A_140 = tpu.vector_load %arg5[%swap3A_139] {strides = array<i32>} : memref<2048xf32, #tpu.memory_space<vmem>>, vector<16xf32>,
    tpu.vector_store %arg5[%swap3A_139], %broadcast_in_dim3A_9 {strides = array<i32>} : memref<2048xf32, #tpu.memory_space<vmem>>, vector<16xf32>,
    %swap3A_141 = arith.constant 1056 : index
    %swap3A_142 = tpu.vector_load %arg5[%swap3A_141] {strides = array<i32>} : memref<2048xf32, #tpu.memory_space<vmem>>, vector<16xf32>,
    tpu.vector_store %arg5[%swap3A_141], %broadcast_in_dim3A_9 {strides = array<i32>} : memref<2048xf32, #tpu.memory_space<vmem>>, vector<16xf32>,
    %swap3A_143 = arith.constant 1072 : index
    %swap3A_144 = tpu.vector_load %arg5[%swap3A_143] {strides = array<i32>} : memref<2048xf32, #tpu.memory_space<vmem>>, vector<16xf32>,
    tpu.vector_store %arg5[%swap3A_143], %broadcast_in_dim3A_9 {strides = array<i32>} : memref<2048xf32, #tpu.memory_space<vmem>>, vector<16xf32>,
    %swap3A_145 = arith.constant 1088 : index
    %swap3A_146 = tpu.vector_load %arg5[%swap3A_145] {strides = array<i32>} : memref<2048xf32, #tpu.memory_space<vmem>>, vector<16xf32>,
    tpu.vector_store %arg5[%swap3A_145], %broadcast_in_dim3A_9 {strides = array<i32>} : memref<2048xf32, #tpu.memory_space<vmem>>, vector<16xf32>,
    %swap3A_147 = arith.constant 1104 : index
    %swap3A_148 = tpu.vector_load %arg5[%swap3A_147] {strides = array<i32>} : memref<2048xf32, #tpu.memory_space<vmem>>, vector<16xf32>,
    tpu.vector_store %arg5[%swap3A_147], %broadcast_in_dim3A_9 {strides = array<i32>} : memref<2048xf32, #tpu.memory_space<vmem>>, vector<16xf32>,
    %swap3A_149 = arith.constant 1120 : index
    %swap3A_150 = tpu.vector_load %arg5[%swap3A_149] {strides = array<i32>} : memref<2048xf32, #tpu.memory_space<vmem>>, vector<16xf32>,
    tpu.vector_store %arg5[%swap3A_149], %broadcast_in_dim3A_9 {strides = array<i32>} : memref<2048xf32, #tpu.memory_space<vmem>>, vector<16xf32>,
    %swap3A_151 = arith.constant 1136 : index
    %swap3A_152 = tpu.vector_load %arg5[%swap3A_151] {strides = array<i32>} : memref<2048xf32, #tpu.memory_space<vmem>>, vector<16xf32>,
    tpu.vector_store %arg5[%swap3A_151], %broadcast_in_dim3A_9 {strides = array<i32>} : memref<2048xf32, #tpu.memory_space<vmem>>, vector<16xf32>,
    %swap3A_153 = arith.constant 1152 : index
    %swap3A_154 = tpu.vector_load %arg5[%swap3A_153] {strides = array<i32>} : memref<2048xf32, #tpu.memory_space<vmem>>, vector<16xf32>,
    tpu.vector_store %arg5[%swap3A_153], %broadcast_in_dim3A_9 {strides = array<i32>} : memref<2048xf32, #tpu.memory_space<vmem>>, vector<16xf32>,
    %swap3A_155 = arith.constant 1168 : index
    %swap3A_156 = tpu.vector_load %arg5[%swap3A_155] {strides = array<i32>} : memref<2048xf32, #tpu.memory_space<vmem>>, vector<16xf32>,
    tpu.vector_store %arg5[%swap3A_155], %broadcast_in_dim3A_9 {strides = array<i32>} : memref<2048xf32, #tpu.memory_space<vmem>>, vector<16xf32>,
    %swap3A_157 = arith.constant 1184 : index
    %swap3A_158 = tpu.vector_load %arg5[%swap3A_157] {strides = array<i32>} : memref<2048xf32, #tpu.memory_space<vmem>>, vector<16xf32>,
    tpu.vector_store %arg5[%swap3A_157], %broadcast_in_dim3A_9 {strides = array<i32>} : memref<2048xf32, #tpu.memory_space<vmem>>, vector<16xf32>,
    %swap3A_159 = arith.constant 1200 : index
    %swap3A_160 = tpu.vector_load %arg5[%swap3A_159] {strides = array<i32>} : memref<2048xf32, #tpu.memory_space<vmem>>, vector<16xf32>,
    tpu.vector_store %arg5[%swap3A_159], %broadcast_in_dim3A_9 {strides = array<i32>} : memref<2048xf32, #tpu.memory_space<vmem>>, vector<16xf32>,
    %swap3A_161 = arith.constant 1216 : index
    %swap3A_162 = tpu.vector_load %arg5[%swap3A_161] {strides = array<i32>} : memref<2048xf32, #tpu.memory_space<vmem>>, vector<16xf32>,
    tpu.vector_store %arg5[%swap3A_161], %broadcast_in_dim3A_9 {strides = array<i32>} : memref<2048xf32, #tpu.memory_space<vmem>>, vector<16xf32>,
    %swap3A_163 = arith.constant 1232 : index
    %swap3A_164 = tpu.vector_load %arg5[%swap3A_163] {strides = array<i32>} : memref<2048xf32, #tpu.memory_space<vmem>>, vector<16xf32>,
    tpu.vector_store %arg5[%swap3A_163], %broadcast_in_dim3A_9 {strides = array<i32>} : memref<2048xf32, #tpu.memory_space<vmem>>, vector<16xf32>,
    %swap3A_165 = arith.constant 1248 : index
    %swap3A_166 = tpu.vector_load %arg5[%swap3A_165] {strides = array<i32>} : memref<2048xf32, #tpu.memory_space<vmem>>, vector<16xf32>,
    tpu.vector_store %arg5[%swap3A_165], %broadcast_in_dim3A_9 {strides = array<i32>} : memref<2048xf32, #tpu.memory_space<vmem>>, vector<16xf32>,
    %swap3A_167 = arith.constant 1264 : index
    %swap3A_168 = tpu.vector_load %arg5[%swap3A_167] {strides = array<i32>} : memref<2048xf32, #tpu.memory_space<vmem>>, vector<16xf32>,
    tpu.vector_store %arg5[%swap3A_167], %broadcast_in_dim3A_9 {strides = array<i32>} : memref<2048xf32, #tpu.memory_space<vmem>>, vector<16xf32>,
    %swap3A_169 = arith.constant 1280 : index
    %swap3A_170 = tpu.vector_load %arg5[%swap3A_169] {strides = array<i32>} : memref<2048xf32, #tpu.memory_space<vmem>>, vector<16xf32>,
    tpu.vector_store %arg5[%swap3A_169], %broadcast_in_dim3A_9 {strides = array<i32>} : memref<2048xf32, #tpu.memory_space<vmem>>, vector<16xf32>,
    %swap3A_171 = arith.constant 1296 : index
    %swap3A_172 = tpu.vector_load %arg5[%swap3A_171] {strides = array<i32>} : memref<2048xf32, #tpu.memory_space<vmem>>, vector<16xf32>,
    tpu.vector_store %arg5[%swap3A_171], %broadcast_in_dim3A_9 {strides = array<i32>} : memref<2048xf32, #tpu.memory_space<vmem>>, vector<16xf32>,
    %swap3A_173 = arith.constant 1312 : index
    %swap3A_174 = tpu.vector_load %arg5[%swap3A_173] {strides = array<i32>} : memref<2048xf32, #tpu.memory_space<vmem>>, vector<16xf32>,
    tpu.vector_store %arg5[%swap3A_173], %broadcast_in_dim3A_9 {strides = array<i32>} : memref<2048xf32, #tpu.memory_space<vmem>>, vector<16xf32>,
    %swap3A_175 = arith.constant 1328 : index
    %swap3A_176 = tpu.vector_load %arg5[%swap3A_175] {strides = array<i32>} : memref<2048xf32, #tpu.memory_space<vmem>>, vector<16xf32>,
    tpu.vector_store %arg5[%swap3A_175], %broadcast_in_dim3A_9 {strides = array<i32>} : memref<2048xf32, #tpu.memory_space<vmem>>, vector<16xf32>,
    %swap3A_177 = arith.constant 1344 : index
    %swap3A_178 = tpu.vector_load %arg5[%swap3A_177] {strides = array<i32>} : memref<2048xf32, #tpu.memory_space<vmem>>, vector<16xf32>,
    tpu.vector_store %arg5[%swap3A_177], %broadcast_in_dim3A_9 {strides = array<i32>} : memref<2048xf32, #tpu.memory_space<vmem>>, vector<16xf32>,
    %swap3A_179 = arith.constant 1360 : index
    %swap3A_180 = tpu.vector_load %arg5[%swap3A_179] {strides = array<i32>} : memref<2048xf32, #tpu.memory_space<vmem>>, vector<16xf32>,
    tpu.vector_store %arg5[%swap3A_179], %broadcast_in_dim3A_9 {strides = array<i32>} : memref<2048xf32, #tpu.memory_space<vmem>>, vector<16xf32>,
    %swap3A_181 = arith.constant 1376 : index
    %swap3A_182 = tpu.vector_load %arg5[%swap3A_181] {strides = array<i32>} : memref<2048xf32, #tpu.memory_space<vmem>>, vector<16xf32>,
    tpu.vector_store %arg5[%swap3A_181], %broadcast_in_dim3A_9 {strides = array<i32>} : memref<2048xf32, #tpu.memory_space<vmem>>, vector<16xf32>,
    %swap3A_183 = arith.constant 1392 : index
    %swap3A_184 = tpu.vector_load %arg5[%swap3A_183] {strides = array<i32>} : memref<2048xf32, #tpu.memory_space<vmem>>, vector<16xf32>,
    tpu.vector_store %arg5[%swap3A_183], %broadcast_in_dim3A_9 {strides = array<i32>} : memref<2048xf32, #tpu.memory_space<vmem>>, vector<16xf32>,
    %swap3A_185 = arith.constant 1408 : index
    %swap3A_186 = tpu.vector_load %arg5[%swap3A_185] {strides = array<i32>} : memref<2048xf32, #tpu.memory_space<vmem>>, vector<16xf32>,
    tpu.vector_store %arg5[%swap3A_185], %broadcast_in_dim3A_9 {strides = array<i32>} : memref<2048xf32, #tpu.memory_space<vmem>>, vector<16xf32>,
    %swap3A_187 = arith.constant 1424 : index
    %swap3A_188 = tpu.vector_load %arg5[%swap3A_187] {strides = array<i32>} : memref<2048xf32, #tpu.memory_space<vmem>>, vector<16xf32>,
    tpu.vector_store %arg5[%swap3A_187], %broadcast_in_dim3A_9 {strides = array<i32>} : memref<2048xf32, #tpu.memory_space<vmem>>, vector<16xf32>,
    %swap3A_189 = arith.constant 1440 : index
    %swap3A_190 = tpu.vector_load %arg5[%swap3A_189] {strides = array<i32>} : memref<2048xf32, #tpu.memory_space<vmem>>, vector<16xf32>,
    tpu.vector_store %arg5[%swap3A_189], %broadcast_in_dim3A_9 {strides = array<i32>} : memref<2048xf32, #tpu.memory_space<vmem>>, vector<16xf32>,
    %swap3A_191 = arith.constant 1456 : index
    %swap3A_192 = tpu.vector_load %arg5[%swap3A_191] {strides = array<i32>} : memref<2048xf32, #tpu.memory_space<vmem>>, vector<16xf32>,
    tpu.vector_store %arg5[%swap3A_191], %broadcast_in_dim3A_9 {strides = array<i32>} : memref<2048xf32, #tpu.memory_space<vmem>>, vector<16xf32>,
    %swap3A_193 = arith.constant 1472 : index
    %swap3A_194 = tpu.vector_load %arg5[%swap3A_193] {strides = array<i32>} : memref<2048xf32, #tpu.memory_space<vmem>>, vector<16xf32>,
    tpu.vector_store %arg5[%swap3A_193], %broadcast_in_dim3A_9 {strides = array<i32>} : memref<2048xf32, #tpu.memory_space<vmem>>, vector<16xf32>,
    %swap3A_195 = arith.constant 1488 : index
    %swap3A_196 = tpu.vector_load %arg5[%swap3A_195] {strides = array<i32>} : memref<2048xf32, #tpu.memory_space<vmem>>, vector<16xf32>,
    tpu.vector_store %arg5[%swap3A_195], %broadcast_in_dim3A_9 {strides = array<i32>} : memref<2048xf32, #tpu.memory_space<vmem>>, vector<16xf32>,
    %swap3A_197 = arith.constant 1504 : index
    %swap3A_198 = tpu.vector_load %arg5[%swap3A_197] {strides = array<i32>} : memref<2048xf32, #tpu.memory_space<vmem>>, vector<16xf32>,
    tpu.vector_store %arg5[%swap3A_197], %broadcast_in_dim3A_9 {strides = array<i32>} : memref<2048xf32, #tpu.memory_space<vmem>>, vector<16xf32>,
    %swap3A_199 = arith.constant 1520 : index
    %swap3A_200 = tpu.vector_load %arg5[%swap3A_199] {strides = array<i32>} : memref<2048xf32, #tpu.memory_space<vmem>>, vector<16xf32>,
    tpu.vector_store %arg5[%swap3A_199], %broadcast_in_dim3A_9 {strides = array<i32>} : memref<2048xf32, #tpu.memory_space<vmem>>, vector<16xf32>,
    %swap3A_201 = arith.constant 1536 : index
    %swap3A_202 = tpu.vector_load %arg5[%swap3A_201] {strides = array<i32>} : memref<2048xf32, #tpu.memory_space<vmem>>, vector<16xf32>,
    tpu.vector_store %arg5[%swap3A_201], %broadcast_in_dim3A_9 {strides = array<i32>} : memref<2048xf32, #tpu.memory_space<vmem>>, vector<16xf32>,
    %swap3A_203 = arith.constant 1552 : index
    %swap3A_204 = tpu.vector_load %arg5[%swap3A_203] {strides = array<i32>} : memref<2048xf32, #tpu.memory_space<vmem>>, vector<16xf32>,
    tpu.vector_store %arg5[%swap3A_203], %broadcast_in_dim3A_9 {strides = array<i32>} : memref<2048xf32, #tpu.memory_space<vmem>>, vector<16xf32>,
    %swap3A_205 = arith.constant 1568 : index
    %swap3A_206 = tpu.vector_load %arg5[%swap3A_205] {strides = array<i32>} : memref<2048xf32, #tpu.memory_space<vmem>>, vector<16xf32>,
    tpu.vector_store %arg5[%swap3A_205], %broadcast_in_dim3A_9 {strides = array<i32>} : memref<2048xf32, #tpu.memory_space<vmem>>, vector<16xf32>,
    %swap3A_207 = arith.constant 1584 : index
    %swap3A_208 = tpu.vector_load %arg5[%swap3A_207] {strides = array<i32>} : memref<2048xf32, #tpu.memory_space<vmem>>, vector<16xf32>,
    tpu.vector_store %arg5[%swap3A_207], %broadcast_in_dim3A_9 {strides = array<i32>} : memref<2048xf32, #tpu.memory_space<vmem>>, vector<16xf32>,
    %swap3A_209 = arith.constant 1600 : index
    %swap3A_210 = tpu.vector_load %arg5[%swap3A_209] {strides = array<i32>} : memref<2048xf32, #tpu.memory_space<vmem>>, vector<16xf32>,
    tpu.vector_store %arg5[%swap3A_209], %broadcast_in_dim3A_9 {strides = array<i32>} : memref<2048xf32, #tpu.memory_space<vmem>>, vector<16xf32>,
    %swap3A_211 = arith.constant 1616 : index
    %swap3A_212 = tpu.vector_load %arg5[%swap3A_211] {strides = array<i32>} : memref<2048xf32, #tpu.memory_space<vmem>>, vector<16xf32>,
    tpu.vector_store %arg5[%swap3A_211], %broadcast_in_dim3A_9 {strides = array<i32>} : memref<2048xf32, #tpu.memory_space<vmem>>, vector<16xf32>,
    %swap3A_213 = arith.constant 1632 : index
    %swap3A_214 = tpu.vector_load %arg5[%swap3A_213] {strides = array<i32>} : memref<2048xf32, #tpu.memory_space<vmem>>, vector<16xf32>,
    tpu.vector_store %arg5[%swap3A_213], %broadcast_in_dim3A_9 {strides = array<i32>} : memref<2048xf32, #tpu.memory_space<vmem>>, vector<16xf32>,
    %swap3A_215 = arith.constant 1648 : index
    %swap3A_216 = tpu.vector_load %arg5[%swap3A_215] {strides = array<i32>} : memref<2048xf32, #tpu.memory_space<vmem>>, vector<16xf32>,
    tpu.vector_store %arg5[%swap3A_215], %broadcast_in_dim3A_9 {strides = array<i32>} : memref<2048xf32, #tpu.memory_space<vmem>>, vector<16xf32>,
    %swap3A_217 = arith.constant 1664 : index
    %swap3A_218 = tpu.vector_load %arg5[%swap3A_217] {strides = array<i32>} : memref<2048xf32, #tpu.memory_space<vmem>>, vector<16xf32>,
    tpu.vector_store %arg5[%swap3A_217], %broadcast_in_dim3A_9 {strides = array<i32>} : memref<2048xf32, #tpu.memory_space<vmem>>, vector<16xf32>,
    %swap3A_219 = arith.constant 1680 : index
    %swap3A_220 = tpu.vector_load %arg5[%swap3A_219] {strides = array<i32>} : memref<2048xf32, #tpu.memory_space<vmem>>, vector<16xf32>,
    tpu.vector_store %arg5[%swap3A_219], %broadcast_in_dim3A_9 {strides = array<i32>} : memref<2048xf32, #tpu.memory_space<vmem>>, vector<16xf32>,
    %swap3A_221 = arith.constant 1696 : index
    %swap3A_222 = tpu.vector_load %arg5[%swap3A_221] {strides = array<i32>} : memref<2048xf32, #tpu.memory_space<vmem>>, vector<16xf32>,
    tpu.vector_store %arg5[%swap3A_221], %broadcast_in_dim3A_9 {strides = array<i32>} : memref<2048xf32, #tpu.memory_space<vmem>>, vector<16xf32>,
    %swap3A_223 = arith.constant 1712 : index
    %swap3A_224 = tpu.vector_load %arg5[%swap3A_223] {strides = array<i32>} : memref<2048xf32, #tpu.memory_space<vmem>>, vector<16xf32>,
    tpu.vector_store %arg5[%swap3A_223], %broadcast_in_dim3A_9 {strides = array<i32>} : memref<2048xf32, #tpu.memory_space<vmem>>, vector<16xf32>,
    %swap3A_225 = arith.constant 1728 : index
    %swap3A_226 = tpu.vector_load %arg5[%swap3A_225] {strides = array<i32>} : memref<2048xf32, #tpu.memory_space<vmem>>, vector<16xf32>,
    tpu.vector_store %arg5[%swap3A_225], %broadcast_in_dim3A_9 {strides = array<i32>} : memref<2048xf32, #tpu.memory_space<vmem>>, vector<16xf32>,
    %swap3A_227 = arith.constant 1744 : index
    %swap3A_228 = tpu.vector_load %arg5[%swap3A_227] {strides = array<i32>} : memref<2048xf32, #tpu.memory_space<vmem>>, vector<16xf32>,
    tpu.vector_store %arg5[%swap3A_227], %broadcast_in_dim3A_9 {strides = array<i32>} : memref<2048xf32, #tpu.memory_space<vmem>>, vector<16xf32>,
    %swap3A_229 = arith.constant 1760 : index
    %swap3A_230 = tpu.vector_load %arg5[%swap3A_229] {strides = array<i32>} : memref<2048xf32, #tpu.memory_space<vmem>>, vector<16xf32>,
    tpu.vector_store %arg5[%swap3A_229], %broadcast_in_dim3A_9 {strides = array<i32>} : memref<2048xf32, #tpu.memory_space<vmem>>, vector<16xf32>,
    %swap3A_231 = arith.constant 1776 : index
    %swap3A_232 = tpu.vector_load %arg5[%swap3A_231] {strides = array<i32>} : memref<2048xf32, #tpu.memory_space<vmem>>, vector<16xf32>,
    tpu.vector_store %arg5[%swap3A_231], %broadcast_in_dim3A_9 {strides = array<i32>} : memref<2048xf32, #tpu.memory_space<vmem>>, vector<16xf32>,
    %swap3A_233 = arith.constant 1792 : index
    %swap3A_234 = tpu.vector_load %arg5[%swap3A_233] {strides = array<i32>} : memref<2048xf32, #tpu.memory_space<vmem>>, vector<16xf32>,
    tpu.vector_store %arg5[%swap3A_233], %broadcast_in_dim3A_9 {strides = array<i32>} : memref<2048xf32, #tpu.memory_space<vmem>>, vector<16xf32>,
    %swap3A_235 = arith.constant 1808 : index
    %swap3A_236 = tpu.vector_load %arg5[%swap3A_235] {strides = array<i32>} : memref<2048xf32, #tpu.memory_space<vmem>>, vector<16xf32>,
    tpu.vector_store %arg5[%swap3A_235], %broadcast_in_dim3A_9 {strides = array<i32>} : memref<2048xf32, #tpu.memory_space<vmem>>, vector<16xf32>,
    %swap3A_237 = arith.constant 1824 : index
    %swap3A_238 = tpu.vector_load %arg5[%swap3A_237] {strides = array<i32>} : memref<2048xf32, #tpu.memory_space<vmem>>, vector<16xf32>,
    tpu.vector_store %arg5[%swap3A_237], %broadcast_in_dim3A_9 {strides = array<i32>} : memref<2048xf32, #tpu.memory_space<vmem>>, vector<16xf32>,
    %swap3A_239 = arith.constant 1840 : index
    %swap3A_240 = tpu.vector_load %arg5[%swap3A_239] {strides = array<i32>} : memref<2048xf32, #tpu.memory_space<vmem>>, vector<16xf32>,
    tpu.vector_store %arg5[%swap3A_239], %broadcast_in_dim3A_9 {strides = array<i32>} : memref<2048xf32, #tpu.memory_space<vmem>>, vector<16xf32>,
    %swap3A_241 = arith.constant 1856 : index
    %swap3A_242 = tpu.vector_load %arg5[%swap3A_241] {strides = array<i32>} : memref<2048xf32, #tpu.memory_space<vmem>>, vector<16xf32>,
    tpu.vector_store %arg5[%swap3A_241], %broadcast_in_dim3A_9 {strides = array<i32>} : memref<2048xf32, #tpu.memory_space<vmem>>, vector<16xf32>,
    %swap3A_243 = arith.constant 1872 : index
    %swap3A_244 = tpu.vector_load %arg5[%swap3A_243] {strides = array<i32>} : memref<2048xf32, #tpu.memory_space<vmem>>, vector<16xf32>,
    tpu.vector_store %arg5[%swap3A_243], %broadcast_in_dim3A_9 {strides = array<i32>} : memref<2048xf32, #tpu.memory_space<vmem>>, vector<16xf32>,
    %swap3A_245 = arith.constant 1888 : index
    %swap3A_246 = tpu.vector_load %arg5[%swap3A_245] {strides = array<i32>} : memref<2048xf32, #tpu.memory_space<vmem>>, vector<16xf32>,
    tpu.vector_store %arg5[%swap3A_245], %broadcast_in_dim3A_9 {strides = array<i32>} : memref<2048xf32, #tpu.memory_space<vmem>>, vector<16xf32>,
    %swap3A_247 = arith.constant 1904 : index
    %swap3A_248 = tpu.vector_load %arg5[%swap3A_247] {strides = array<i32>} : memref<2048xf32, #tpu.memory_space<vmem>>, vector<16xf32>,
    tpu.vector_store %arg5[%swap3A_247], %broadcast_in_dim3A_9 {strides = array<i32>} : memref<2048xf32, #tpu.memory_space<vmem>>, vector<16xf32>,
    %swap3A_249 = arith.constant 1920 : index
    %swap3A_250 = tpu.vector_load %arg5[%swap3A_249] {strides = array<i32>} : memref<2048xf32, #tpu.memory_space<vmem>>, vector<16xf32>,
    tpu.vector_store %arg5[%swap3A_249], %broadcast_in_dim3A_9 {strides = array<i32>} : memref<2048xf32, #tpu.memory_space<vmem>>, vector<16xf32>,
    %swap3A_251 = arith.constant 1936 : index
    %swap3A_252 = tpu.vector_load %arg5[%swap3A_251] {strides = array<i32>} : memref<2048xf32, #tpu.memory_space<vmem>>, vector<16xf32>,
    tpu.vector_store %arg5[%swap3A_251], %broadcast_in_dim3A_9 {strides = array<i32>} : memref<2048xf32, #tpu.memory_space<vmem>>, vector<16xf32>,
    %swap3A_253 = arith.constant 1952 : index
    %swap3A_254 = tpu.vector_load %arg5[%swap3A_253] {strides = array<i32>} : memref<2048xf32, #tpu.memory_space<vmem>>, vector<16xf32>,
    tpu.vector_store %arg5[%swap3A_253], %broadcast_in_dim3A_9 {strides = array<i32>} : memref<2048xf32, #tpu.memory_space<vmem>>, vector<16xf32>,
    %swap3A_255 = arith.constant 1968 : index
    %swap3A_256 = tpu.vector_load %arg5[%swap3A_255] {strides = array<i32>} : memref<2048xf32, #tpu.memory_space<vmem>>, vector<16xf32>,
    tpu.vector_store %arg5[%swap3A_255], %broadcast_in_dim3A_9 {strides = array<i32>} : memref<2048xf32, #tpu.memory_space<vmem>>, vector<16xf32>,
    %swap3A_257 = arith.constant 1984 : index
    %swap3A_258 = tpu.vector_load %arg5[%swap3A_257] {strides = array<i32>} : memref<2048xf32, #tpu.memory_space<vmem>>, vector<16xf32>,
    tpu.vector_store %arg5[%swap3A_257], %broadcast_in_dim3A_9 {strides = array<i32>} : memref<2048xf32, #tpu.memory_space<vmem>>, vector<16xf32>,
    %swap3A_259 = arith.constant 2000 : index
    %swap3A_260 = tpu.vector_load %arg5[%swap3A_259] {strides = array<i32>} : memref<2048xf32, #tpu.memory_space<vmem>>, vector<16xf32>,
    tpu.vector_store %arg5[%swap3A_259], %broadcast_in_dim3A_9 {strides = array<i32>} : memref<2048xf32, #tpu.memory_space<vmem>>, vector<16xf32>,
    %swap3A_261 = arith.constant 2016 : index
    %swap3A_262 = tpu.vector_load %arg5[%swap3A_261] {strides = array<i32>} : memref<2048xf32, #tpu.memory_space<vmem>>, vector<16xf32>,
    tpu.vector_store %arg5[%swap3A_261], %broadcast_in_dim3A_9 {strides = array<i32>} : memref<2048xf32, #tpu.memory_space<vmem>>, vector<16xf32>,
    %swap3A_263 = arith.constant 2032 : index
    %swap3A_264 = tpu.vector_load %arg5[%swap3A_263] {strides = array<i32>} : memref<2048xf32, #tpu.memory_space<vmem>>, vector<16xf32>,
    tpu.vector_store %arg5[%swap3A_263], %broadcast_in_dim3A_9 {strides = array<i32>} : memref<2048xf32, #tpu.memory_space<vmem>>, vector<16xf32>,
    %broadcast_in_dim3A_265 = arith.constant 1.000000e+00 : f32
    %broadcast_in_dim3A_266 = vector.broadcast %broadcast_in_dim3A_265 : f32 to vector<16xf32>
    %iota3A = tpu.iota {dimensions = array<i32: 0>} : vector<16xi32>
    %mul3A_267 = arith.constant 128 : i32
    %mul3A_268 = vector.broadcast %mul3A_267 : i32 to vector<16xi32>
    %mul3A_269 = arith.muli %iota3A, %mul3A_268 : vector<16xi32>
    %eq3A_270 = arith.constant 31 : i32
    %eq3A_271 = arith.cmpi eq, %add3A, %eq3A_270 : i32
    %jit3A = arith.constant 10 : i32
    %jit3A_272 = arith.constant 40 : i32
    %select_n3A = arith.select %eq3A_271, %jit3A, %jit3A_272 : i32
    %while3A = arith.constant 0 : i32
    %while3A_273 = arith.constant 0 : i32
    %while3A_274 = arith.subi %select_n3A, %while3A_273 : i32
    %while3A_275 = arith.addi %while3A_273, %while3A_274 : i32
    %while3A_276 = arith.constant 1 : i32
    %while3A_277 = arith.divsi %while3A_274, %while3A_276 : i32
    %while3A_278 = arith.muli %while3A_277, %while3A_276 : i32
    %while3A_279 = arith.addi %while3A_273, %while3A_278 : i32
    %while3A_280 = arith.constant 1 : i32
    scf.for %while3A_1123 = %while3A_273 to %while3A_279 step %while3A_280  : i32 {
      %mul3A_1124 = arith.constant 5 : i32
      %mul3A_1125 = arith.muli %while3A_1123, %mul3A_1124 : i32
      %add3A_1126 = arith.constant 0 : i32
      %add3A_1127 = arith.addi %mul3A_1125, %add3A_1126 : i32
      %mul3A_1128 = arith.constant 16 : i32
      %mul3A_1129 = arith.muli %add3A_1127, %mul3A_1128 : i32
      %get3A_1130 = arith.index_cast %mul3A_1129 : i32 to index
      %get3A_1131 = tpu.vector_load %arg4[%get3A_1130] {strides = array<i32>} : memref<3200xi32, #tpu.memory_space<vmem>>, vector<16xi32>,
      %add3A_1132 = arith.addi %get3A_1131, %mul3A_269 : vector<16xi32>
      tpu.vector_store_idx %arg5[%add3A_1132], %broadcast_in_dim3A_266 {add = true} : memref<2048xf32, #tpu.memory_space<vmem>>[vector<16xi32>], vector<16xf32>,
      %mul3A_1133 = arith.constant 5 : i32
      %mul3A_1134 = arith.muli %while3A_1123, %mul3A_1133 : i32
      %add3A_1135 = arith.constant 1 : i32
      %add3A_1136 = arith.addi %mul3A_1134, %add3A_1135 : i32
      %mul3A_1137 = arith.constant 16 : i32
      %mul3A_1138 = arith.muli %add3A_1136, %mul3A_1137 : i32
      %get3A_1139 = arith.index_cast %mul3A_1138 : i32 to index
      %get3A_1140 = tpu.vector_load %arg4[%get3A_1139] {strides = array<i32>} : memref<3200xi32, #tpu.memory_space<vmem>>, vector<16xi32>,
      %add3A_1141 = arith.addi %get3A_1140, %mul3A_269 : vector<16xi32>
      tpu.vector_store_idx %arg5[%add3A_1141], %broadcast_in_dim3A_266 {add = true} : memref<2048xf32, #tpu.memory_space<vmem>>[vector<16xi32>], vector<16xf32>,
      %mul3A_1142 = arith.constant 5 : i32
      %mul3A_1143 = arith.muli %while3A_1123, %mul3A_1142 : i32
      %add3A_1144 = arith.constant 2 : i32
      %add3A_1145 = arith.addi %mul3A_1143, %add3A_1144 : i32
      %mul3A_1146 = arith.constant 16 : i32
      %mul3A_1147 = arith.muli %add3A_1145, %mul3A_1146 : i32
      %get3A_1148 = arith.index_cast %mul3A_1147 : i32 to index
      %get3A_1149 = tpu.vector_load %arg4[%get3A_1148] {strides = array<i32>} : memref<3200xi32, #tpu.memory_space<vmem>>, vector<16xi32>,
      %add3A_1150 = arith.addi %get3A_1149, %mul3A_269 : vector<16xi32>
      tpu.vector_store_idx %arg5[%add3A_1150], %broadcast_in_dim3A_266 {add = true} : memref<2048xf32, #tpu.memory_space<vmem>>[vector<16xi32>], vector<16xf32>,
      %mul3A_1151 = arith.constant 5 : i32
      %mul3A_1152 = arith.muli %while3A_1123, %mul3A_1151 : i32
      %add3A_1153 = arith.constant 3 : i32
      %add3A_1154 = arith.addi %mul3A_1152, %add3A_1153 : i32
      %mul3A_1155 = arith.constant 16 : i32
      %mul3A_1156 = arith.muli %add3A_1154, %mul3A_1155 : i32
      %get3A_1157 = arith.index_cast %mul3A_1156 : i32 to index
      %get3A_1158 = tpu.vector_load %arg4[%get3A_1157] {strides = array<i32>} : memref<3200xi32, #tpu.memory_space<vmem>>, vector<16xi32>,
      %add3A_1159 = arith.addi %get3A_1158, %mul3A_269 : vector<16xi32>
      tpu.vector_store_idx %arg5[%add3A_1159], %broadcast_in_dim3A_266 {add = true} : memref<2048xf32, #tpu.memory_space<vmem>>[vector<16xi32>], vector<16xf32>,
      %mul3A_1160 = arith.constant 5 : i32
      %mul3A_1161 = arith.muli %while3A_1123, %mul3A_1160 : i32
      %add3A_1162 = arith.constant 4 : i32
      %add3A_1163 = arith.addi %mul3A_1161, %add3A_1162 : i32
      %mul3A_1164 = arith.constant 16 : i32
      %mul3A_1165 = arith.muli %add3A_1163, %mul3A_1164 : i32
      %get3A_1166 = arith.index_cast %mul3A_1165 : i32 to index
      %get3A_1167 = tpu.vector_load %arg4[%get3A_1166] {strides = array<i32>} : memref<3200xi32, #tpu.memory_space<vmem>>, vector<16xi32>,
      %add3A_1168 = arith.addi %get3A_1167, %mul3A_269 : vector<16xi32>
      tpu.vector_store_idx %arg5[%add3A_1168], %broadcast_in_dim3A_266 {add = true} : memref<2048xf32, #tpu.memory_space<vmem>>[vector<16xi32>], vector<16xf32>,
    }
    %while3A_281 = arith.constant 1 : i32
    scf.for %while3A_1123 = %while3A_279 to %while3A_275 step %while3A_281  : i32 {
      %mul3A_1124 = arith.constant 5 : i32
      %mul3A_1125 = arith.muli %while3A_1123, %mul3A_1124 : i32
      %add3A_1126 = arith.constant 0 : i32
      %add3A_1127 = arith.addi %mul3A_1125, %add3A_1126 : i32
      %mul3A_1128 = arith.constant 16 : i32
      %mul3A_1129 = arith.muli %add3A_1127, %mul3A_1128 : i32
      %get3A_1130 = arith.index_cast %mul3A_1129 : i32 to index
      %get3A_1131 = tpu.vector_load %arg4[%get3A_1130] {strides = array<i32>} : memref<3200xi32, #tpu.memory_space<vmem>>, vector<16xi32>,
      %add3A_1132 = arith.addi %get3A_1131, %mul3A_269 : vector<16xi32>
      tpu.vector_store_idx %arg5[%add3A_1132], %broadcast_in_dim3A_266 {add = true} : memref<2048xf32, #tpu.memory_space<vmem>>[vector<16xi32>], vector<16xf32>,
      %mul3A_1133 = arith.constant 5 : i32
      %mul3A_1134 = arith.muli %while3A_1123, %mul3A_1133 : i32
      %add3A_1135 = arith.constant 1 : i32
      %add3A_1136 = arith.addi %mul3A_1134, %add3A_1135 : i32
      %mul3A_1137 = arith.constant 16 : i32
      %mul3A_1138 = arith.muli %add3A_1136, %mul3A_1137 : i32
      %get3A_1139 = arith.index_cast %mul3A_1138 : i32 to index
      %get3A_1140 = tpu.vector_load %arg4[%get3A_1139] {strides = array<i32>} : memref<3200xi32, #tpu.memory_space<vmem>>, vector<16xi32>,
      %add3A_1141 = arith.addi %get3A_1140, %mul3A_269 : vector<16xi32>
      tpu.vector_store_idx %arg5[%add3A_1141], %broadcast_in_dim3A_266 {add = true} : memref<2048xf32, #tpu.memory_space<vmem>>[vector<16xi32>], vector<16xf32>,
      %mul3A_1142 = arith.constant 5 : i32
      %mul3A_1143 = arith.muli %while3A_1123, %mul3A_1142 : i32
      %add3A_1144 = arith.constant 2 : i32
      %add3A_1145 = arith.addi %mul3A_1143, %add3A_1144 : i32
      %mul3A_1146 = arith.constant 16 : i32
      %mul3A_1147 = arith.muli %add3A_1145, %mul3A_1146 : i32
      %get3A_1148 = arith.index_cast %mul3A_1147 : i32 to index
      %get3A_1149 = tpu.vector_load %arg4[%get3A_1148] {strides = array<i32>} : memref<3200xi32, #tpu.memory_space<vmem>>, vector<16xi32>,
      %add3A_1150 = arith.addi %get3A_1149, %mul3A_269 : vector<16xi32>
      tpu.vector_store_idx %arg5[%add3A_1150], %broadcast_in_dim3A_266 {add = true} : memref<2048xf32, #tpu.memory_space<vmem>>[vector<16xi32>], vector<16xf32>,
      %mul3A_1151 = arith.constant 5 : i32
      %mul3A_1152 = arith.muli %while3A_1123, %mul3A_1151 : i32
      %add3A_1153 = arith.constant 3 : i32
      %add3A_1154 = arith.addi %mul3A_1152, %add3A_1153 : i32
      %mul3A_1155 = arith.constant 16 : i32
      %mul3A_1156 = arith.muli %add3A_1154, %mul3A_1155 : i32
      %get3A_1157 = arith.index_cast %mul3A_1156 : i32 to index
      %get3A_1158 = tpu.vector_load %arg4[%get3A_1157] {strides = array<i32>} : memref<3200xi32, #tpu.memory_space<vmem>>, vector<16xi32>,
      %add3A_1159 = arith.addi %get3A_1158, %mul3A_269 : vector<16xi32>
      tpu.vector_store_idx %arg5[%add3A_1159], %broadcast_in_dim3A_266 {add = true} : memref<2048xf32, #tpu.memory_space<vmem>>[vector<16xi32>], vector<16xf32>,
      %mul3A_1160 = arith.constant 5 : i32
      %mul3A_1161 = arith.muli %while3A_1123, %mul3A_1160 : i32
      %add3A_1162 = arith.constant 4 : i32
      %add3A_1163 = arith.addi %mul3A_1161, %add3A_1162 : i32
      %mul3A_1164 = arith.constant 16 : i32
      %mul3A_1165 = arith.muli %add3A_1163, %mul3A_1164 : i32
      %get3A_1166 = arith.index_cast %mul3A_1165 : i32 to index
      %get3A_1167 = tpu.vector_load %arg4[%get3A_1166] {strides = array<i32>} : memref<3200xi32, #tpu.memory_space<vmem>>, vector<16xi32>,
      %add3A_1168 = arith.addi %get3A_1167, %mul3A_269 : vector<16xi32>
      tpu.vector_store_idx %arg5[%add3A_1168], %broadcast_in_dim3A_266 {add = true} : memref<2048xf32, #tpu.memory_space<vmem>>[vector<16xi32>], vector<16xf32>,
    }
    %get3A = arith.constant 0 : index
    %get3A_282 = tpu.vector_load %arg5[%get3A] {strides = array<i32>} : memref<2048xf32, #tpu.memory_space<vmem>>, vector<16xf32>,
    %get3A_283 = arith.constant 128 : index
    %get3A_284 = tpu.vector_load %arg5[%get3A_283] {strides = array<i32>} : memref<2048xf32, #tpu.memory_space<vmem>>, vector<16xf32>,
    %add3A_285 = arith.addf %get3A_282, %get3A_284 : vector<16xf32>
    %swap3A_286 = arith.constant 0 : index
    %swap3A_287 = tpu.vector_load %arg5[%swap3A_286] {strides = array<i32>} : memref<2048xf32, #tpu.memory_space<vmem>>, vector<16xf32>,
    tpu.vector_store %arg5[%swap3A_286], %add3A_285 {strides = array<i32>} : memref<2048xf32, #tpu.memory_space<vmem>>, vector<16xf32>,
    %get3A_288 = arith.constant 16 : index
    %get3A_289 = tpu.vector_load %arg5[%get3A_288] {strides = array<i32>} : memref<2048xf32, #tpu.memory_space<vmem>>, vector<16xf32>,
    %get3A_290 = arith.constant 144 : index
    %get3A_291 = tpu.vector_load %arg5[%get3A_290] {strides = array<i32>} : memref<2048xf32, #tpu.memory_space<vmem>>, vector<16xf32>,
    %add3A_292 = arith.addf %get3A_289, %get3A_291 : vector<16xf32>
    %swap3A_293 = arith.constant 16 : index
    %swap3A_294 = tpu.vector_load %arg5[%swap3A_293] {strides = array<i32>} : memref<2048xf32, #tpu.memory_space<vmem>>, vector<16xf32>,
    tpu.vector_store %arg5[%swap3A_293], %add3A_292 {strides = array<i32>} : memref<2048xf32, #tpu.memory_space<vmem>>, vector<16xf32>,
    %get3A_295 = arith.constant 32 : index
    %get3A_296 = tpu.vector_load %arg5[%get3A_295] {strides = array<i32>} : memref<2048xf32, #tpu.memory_space<vmem>>, vector<16xf32>,
    %get3A_297 = arith.constant 160 : index
    %get3A_298 = tpu.vector_load %arg5[%get3A_297] {strides = array<i32>} : memref<2048xf32, #tpu.memory_space<vmem>>, vector<16xf32>,
    %add3A_299 = arith.addf %get3A_296, %get3A_298 : vector<16xf32>
    %swap3A_300 = arith.constant 32 : index
    %swap3A_301 = tpu.vector_load %arg5[%swap3A_300] {strides = array<i32>} : memref<2048xf32, #tpu.memory_space<vmem>>, vector<16xf32>,
    tpu.vector_store %arg5[%swap3A_300], %add3A_299 {strides = array<i32>} : memref<2048xf32, #tpu.memory_space<vmem>>, vector<16xf32>,
    %get3A_302 = arith.constant 48 : index
    %get3A_303 = tpu.vector_load %arg5[%get3A_302] {strides = array<i32>} : memref<2048xf32, #tpu.memory_space<vmem>>, vector<16xf32>,
    %get3A_304 = arith.constant 176 : index
    %get3A_305 = tpu.vector_load %arg5[%get3A_304] {strides = array<i32>} : memref<2048xf32, #tpu.memory_space<vmem>>, vector<16xf32>,
    %add3A_306 = arith.addf %get3A_303, %get3A_305 : vector<16xf32>
    %swap3A_307 = arith.constant 48 : index
    %swap3A_308 = tpu.vector_load %arg5[%swap3A_307] {strides = array<i32>} : memref<2048xf32, #tpu.memory_space<vmem>>, vector<16xf32>,
    tpu.vector_store %arg5[%swap3A_307], %add3A_306 {strides = array<i32>} : memref<2048xf32, #tpu.memory_space<vmem>>, vector<16xf32>,
    %get3A_309 = arith.constant 64 : index
    %get3A_310 = tpu.vector_load %arg5[%get3A_309] {strides = array<i32>} : memref<2048xf32, #tpu.memory_space<vmem>>, vector<16xf32>,
    %get3A_311 = arith.constant 192 : index
    %get3A_312 = tpu.vector_load %arg5[%get3A_311] {strides = array<i32>} : memref<2048xf32, #tpu.memory_space<vmem>>, vector<16xf32>,
    %add3A_313 = arith.addf %get3A_310, %get3A_312 : vector<16xf32>
    %swap3A_314 = arith.constant 64 : index
    %swap3A_315 = tpu.vector_load %arg5[%swap3A_314] {strides = array<i32>} : memref<2048xf32, #tpu.memory_space<vmem>>, vector<16xf32>,
    tpu.vector_store %arg5[%swap3A_314], %add3A_313 {strides = array<i32>} : memref<2048xf32, #tpu.memory_space<vmem>>, vector<16xf32>,
    %get3A_316 = arith.constant 80 : index
    %get3A_317 = tpu.vector_load %arg5[%get3A_316] {strides = array<i32>} : memref<2048xf32, #tpu.memory_space<vmem>>, vector<16xf32>,
    %get3A_318 = arith.constant 208 : index
    %get3A_319 = tpu.vector_load %arg5[%get3A_318] {strides = array<i32>} : memref<2048xf32, #tpu.memory_space<vmem>>, vector<16xf32>,
    %add3A_320 = arith.addf %get3A_317, %get3A_319 : vector<16xf32>
    %swap3A_321 = arith.constant 80 : index
    %swap3A_322 = tpu.vector_load %arg5[%swap3A_321] {strides = array<i32>} : memref<2048xf32, #tpu.memory_space<vmem>>, vector<16xf32>,
    tpu.vector_store %arg5[%swap3A_321], %add3A_320 {strides = array<i32>} : memref<2048xf32, #tpu.memory_space<vmem>>, vector<16xf32>,
    %get3A_323 = arith.constant 96 : index
    %get3A_324 = tpu.vector_load %arg5[%get3A_323] {strides = array<i32>} : memref<2048xf32, #tpu.memory_space<vmem>>, vector<16xf32>,
    %get3A_325 = arith.constant 224 : index
    %get3A_326 = tpu.vector_load %arg5[%get3A_325] {strides = array<i32>} : memref<2048xf32, #tpu.memory_space<vmem>>, vector<16xf32>,
    %add3A_327 = arith.addf %get3A_324, %get3A_326 : vector<16xf32>
    %swap3A_328 = arith.constant 96 : index
    %swap3A_329 = tpu.vector_load %arg5[%swap3A_328] {strides = array<i32>} : memref<2048xf32, #tpu.memory_space<vmem>>, vector<16xf32>,
    tpu.vector_store %arg5[%swap3A_328], %add3A_327 {strides = array<i32>} : memref<2048xf32, #tpu.memory_space<vmem>>, vector<16xf32>,
    %get3A_330 = arith.constant 112 : index
    %get3A_331 = tpu.vector_load %arg5[%get3A_330] {strides = array<i32>} : memref<2048xf32, #tpu.memory_space<vmem>>, vector<16xf32>,
    %get3A_332 = arith.constant 240 : index
    %get3A_333 = tpu.vector_load %arg5[%get3A_332] {strides = array<i32>} : memref<2048xf32, #tpu.memory_space<vmem>>, vector<16xf32>,
    %add3A_334 = arith.addf %get3A_331, %get3A_333 : vector<16xf32>
    %swap3A_335 = arith.constant 112 : index
    %swap3A_336 = tpu.vector_load %arg5[%swap3A_335] {strides = array<i32>} : memref<2048xf32, #tpu.memory_space<vmem>>, vector<16xf32>,
    tpu.vector_store %arg5[%swap3A_335], %add3A_334 {strides = array<i32>} : memref<2048xf32, #tpu.memory_space<vmem>>, vector<16xf32>,
    %get3A_337 = arith.constant 0 : index
    %get3A_338 = tpu.vector_load %arg5[%get3A_337] {strides = array<i32>} : memref<2048xf32, #tpu.memory_space<vmem>>, vector<16xf32>,
    %get3A_339 = arith.constant 256 : index
    %get3A_340 = tpu.vector_load %arg5[%get3A_339] {strides = array<i32>} : memref<2048xf32, #tpu.memory_space<vmem>>, vector<16xf32>,
    %add3A_341 = arith.addf %get3A_338, %get3A_340 : vector<16xf32>
    %swap3A_342 = arith.constant 0 : index
    %swap3A_343 = tpu.vector_load %arg5[%swap3A_342] {strides = array<i32>} : memref<2048xf32, #tpu.memory_space<vmem>>, vector<16xf32>,
    tpu.vector_store %arg5[%swap3A_342], %add3A_341 {strides = array<i32>} : memref<2048xf32, #tpu.memory_space<vmem>>, vector<16xf32>,
    %get3A_344 = arith.constant 16 : index
    %get3A_345 = tpu.vector_load %arg5[%get3A_344] {strides = array<i32>} : memref<2048xf32, #tpu.memory_space<vmem>>, vector<16xf32>,
    %get3A_346 = arith.constant 272 : index
    %get3A_347 = tpu.vector_load %arg5[%get3A_346] {strides = array<i32>} : memref<2048xf32, #tpu.memory_space<vmem>>, vector<16xf32>,
    %add3A_348 = arith.addf %get3A_345, %get3A_347 : vector<16xf32>
    %swap3A_349 = arith.constant 16 : index
    %swap3A_350 = tpu.vector_load %arg5[%swap3A_349] {strides = array<i32>} : memref<2048xf32, #tpu.memory_space<vmem>>, vector<16xf32>,
    tpu.vector_store %arg5[%swap3A_349], %add3A_348 {strides = array<i32>} : memref<2048xf32, #tpu.memory_space<vmem>>, vector<16xf32>,
    %get3A_351 = arith.constant 32 : index
    %get3A_352 = tpu.vector_load %arg5[%get3A_351] {strides = array<i32>} : memref<2048xf32, #tpu.memory_space<vmem>>, vector<16xf32>,
    %get3A_353 = arith.constant 288 : index
    %get3A_354 = tpu.vector_load %arg5[%get3A_353] {strides = array<i32>} : memref<2048xf32, #tpu.memory_space<vmem>>, vector<16xf32>,
    %add3A_355 = arith.addf %get3A_352, %get3A_354 : vector<16xf32>
    %swap3A_356 = arith.constant 32 : index
    %swap3A_357 = tpu.vector_load %arg5[%swap3A_356] {strides = array<i32>} : memref<2048xf32, #tpu.memory_space<vmem>>, vector<16xf32>,
    tpu.vector_store %arg5[%swap3A_356], %add3A_355 {strides = array<i32>} : memref<2048xf32, #tpu.memory_space<vmem>>, vector<16xf32>,
    %get3A_358 = arith.constant 48 : index
    %get3A_359 = tpu.vector_load %arg5[%get3A_358] {strides = array<i32>} : memref<2048xf32, #tpu.memory_space<vmem>>, vector<16xf32>,
    %get3A_360 = arith.constant 304 : index
    %get3A_361 = tpu.vector_load %arg5[%get3A_360] {strides = array<i32>} : memref<2048xf32, #tpu.memory_space<vmem>>, vector<16xf32>,
    %add3A_362 = arith.addf %get3A_359, %get3A_361 : vector<16xf32>
    %swap3A_363 = arith.constant 48 : index
    %swap3A_364 = tpu.vector_load %arg5[%swap3A_363] {strides = array<i32>} : memref<2048xf32, #tpu.memory_space<vmem>>, vector<16xf32>,
    tpu.vector_store %arg5[%swap3A_363], %add3A_362 {strides = array<i32>} : memref<2048xf32, #tpu.memory_space<vmem>>, vector<16xf32>,
    %get3A_365 = arith.constant 64 : index
    %get3A_366 = tpu.vector_load %arg5[%get3A_365] {strides = array<i32>} : memref<2048xf32, #tpu.memory_space<vmem>>, vector<16xf32>,
    %get3A_367 = arith.constant 320 : index
    %get3A_368 = tpu.vector_load %arg5[%get3A_367] {strides = array<i32>} : memref<2048xf32, #tpu.memory_space<vmem>>, vector<16xf32>,
    %add3A_369 = arith.addf %get3A_366, %get3A_368 : vector<16xf32>
    %swap3A_370 = arith.constant 64 : index
    %swap3A_371 = tpu.vector_load %arg5[%swap3A_370] {strides = array<i32>} : memref<2048xf32, #tpu.memory_space<vmem>>, vector<16xf32>,
    tpu.vector_store %arg5[%swap3A_370], %add3A_369 {strides = array<i32>} : memref<2048xf32, #tpu.memory_space<vmem>>, vector<16xf32>,
    %get3A_372 = arith.constant 80 : index
    %get3A_373 = tpu.vector_load %arg5[%get3A_372] {strides = array<i32>} : memref<2048xf32, #tpu.memory_space<vmem>>, vector<16xf32>,
    %get3A_374 = arith.constant 336 : index
    %get3A_375 = tpu.vector_load %arg5[%get3A_374] {strides = array<i32>} : memref<2048xf32, #tpu.memory_space<vmem>>, vector<16xf32>,
    %add3A_376 = arith.addf %get3A_373, %get3A_375 : vector<16xf32>
    %swap3A_377 = arith.constant 80 : index
    %swap3A_378 = tpu.vector_load %arg5[%swap3A_377] {strides = array<i32>} : memref<2048xf32, #tpu.memory_space<vmem>>, vector<16xf32>,
    tpu.vector_store %arg5[%swap3A_377], %add3A_376 {strides = array<i32>} : memref<2048xf32, #tpu.memory_space<vmem>>, vector<16xf32>,
    %get3A_379 = arith.constant 96 : index
    %get3A_380 = tpu.vector_load %arg5[%get3A_379] {strides = array<i32>} : memref<2048xf32, #tpu.memory_space<vmem>>, vector<16xf32>,
    %get3A_381 = arith.constant 352 : index
    %get3A_382 = tpu.vector_load %arg5[%get3A_381] {strides = array<i32>} : memref<2048xf32, #tpu.memory_space<vmem>>, vector<16xf32>,
    %add3A_383 = arith.addf %get3A_380, %get3A_382 : vector<16xf32>
    %swap3A_384 = arith.constant 96 : index
    %swap3A_385 = tpu.vector_load %arg5[%swap3A_384] {strides = array<i32>} : memref<2048xf32, #tpu.memory_space<vmem>>, vector<16xf32>,
    tpu.vector_store %arg5[%swap3A_384], %add3A_383 {strides = array<i32>} : memref<2048xf32, #tpu.memory_space<vmem>>, vector<16xf32>,
    %get3A_386 = arith.constant 112 : index
    %get3A_387 = tpu.vector_load %arg5[%get3A_386] {strides = array<i32>} : memref<2048xf32, #tpu.memory_space<vmem>>, vector<16xf32>,
    %get3A_388 = arith.constant 368 : index
    %get3A_389 = tpu.vector_load %arg5[%get3A_388] {strides = array<i32>} : memref<2048xf32, #tpu.memory_space<vmem>>, vector<16xf32>,
    %add3A_390 = arith.addf %get3A_387, %get3A_389 : vector<16xf32>
    %swap3A_391 = arith.constant 112 : index
    %swap3A_392 = tpu.vector_load %arg5[%swap3A_391] {strides = array<i32>} : memref<2048xf32, #tpu.memory_space<vmem>>, vector<16xf32>,
    tpu.vector_store %arg5[%swap3A_391], %add3A_390 {strides = array<i32>} : memref<2048xf32, #tpu.memory_space<vmem>>, vector<16xf32>,
    %get3A_393 = arith.constant 0 : index
    %get3A_394 = tpu.vector_load %arg5[%get3A_393] {strides = array<i32>} : memref<2048xf32, #tpu.memory_space<vmem>>, vector<16xf32>,
    %get3A_395 = arith.constant 384 : index
    %get3A_396 = tpu.vector_load %arg5[%get3A_395] {strides = array<i32>} : memref<2048xf32, #tpu.memory_space<vmem>>, vector<16xf32>,
    %add3A_397 = arith.addf %get3A_394, %get3A_396 : vector<16xf32>
    %swap3A_398 = arith.constant 0 : index
    %swap3A_399 = tpu.vector_load %arg5[%swap3A_398] {strides = array<i32>} : memref<2048xf32, #tpu.memory_space<vmem>>, vector<16xf32>,
    tpu.vector_store %arg5[%swap3A_398], %add3A_397 {strides = array<i32>} : memref<2048xf32, #tpu.memory_space<vmem>>, vector<16xf32>,
    %get3A_400 = arith.constant 16 : index
    %get3A_401 = tpu.vector_load %arg5[%get3A_400] {strides = array<i32>} : memref<2048xf32, #tpu.memory_space<vmem>>, vector<16xf32>,
    %get3A_402 = arith.constant 400 : index
    %get3A_403 = tpu.vector_load %arg5[%get3A_402] {strides = array<i32>} : memref<2048xf32, #tpu.memory_space<vmem>>, vector<16xf32>,
    %add3A_404 = arith.addf %get3A_401, %get3A_403 : vector<16xf32>
    %swap3A_405 = arith.constant 16 : index
    %swap3A_406 = tpu.vector_load %arg5[%swap3A_405] {strides = array<i32>} : memref<2048xf32, #tpu.memory_space<vmem>>, vector<16xf32>,
    tpu.vector_store %arg5[%swap3A_405], %add3A_404 {strides = array<i32>} : memref<2048xf32, #tpu.memory_space<vmem>>, vector<16xf32>,
    %get3A_407 = arith.constant 32 : index
    %get3A_408 = tpu.vector_load %arg5[%get3A_407] {strides = array<i32>} : memref<2048xf32, #tpu.memory_space<vmem>>, vector<16xf32>,
    %get3A_409 = arith.constant 416 : index
    %get3A_410 = tpu.vector_load %arg5[%get3A_409] {strides = array<i32>} : memref<2048xf32, #tpu.memory_space<vmem>>, vector<16xf32>,
    %add3A_411 = arith.addf %get3A_408, %get3A_410 : vector<16xf32>
    %swap3A_412 = arith.constant 32 : index
    %swap3A_413 = tpu.vector_load %arg5[%swap3A_412] {strides = array<i32>} : memref<2048xf32, #tpu.memory_space<vmem>>, vector<16xf32>,
    tpu.vector_store %arg5[%swap3A_412], %add3A_411 {strides = array<i32>} : memref<2048xf32, #tpu.memory_space<vmem>>, vector<16xf32>,
    %get3A_414 = arith.constant 48 : index
    %get3A_415 = tpu.vector_load %arg5[%get3A_414] {strides = array<i32>} : memref<2048xf32, #tpu.memory_space<vmem>>, vector<16xf32>,
    %get3A_416 = arith.constant 432 : index
    %get3A_417 = tpu.vector_load %arg5[%get3A_416] {strides = array<i32>} : memref<2048xf32, #tpu.memory_space<vmem>>, vector<16xf32>,
    %add3A_418 = arith.addf %get3A_415, %get3A_417 : vector<16xf32>
    %swap3A_419 = arith.constant 48 : index
    %swap3A_420 = tpu.vector_load %arg5[%swap3A_419] {strides = array<i32>} : memref<2048xf32, #tpu.memory_space<vmem>>, vector<16xf32>,
    tpu.vector_store %arg5[%swap3A_419], %add3A_418 {strides = array<i32>} : memref<2048xf32, #tpu.memory_space<vmem>>, vector<16xf32>,
    %get3A_421 = arith.constant 64 : index
    %get3A_422 = tpu.vector_load %arg5[%get3A_421] {strides = array<i32>} : memref<2048xf32, #tpu.memory_space<vmem>>, vector<16xf32>,
    %get3A_423 = arith.constant 448 : index
    %get3A_424 = tpu.vector_load %arg5[%get3A_423] {strides = array<i32>} : memref<2048xf32, #tpu.memory_space<vmem>>, vector<16xf32>,
    %add3A_425 = arith.addf %get3A_422, %get3A_424 : vector<16xf32>
    %swap3A_426 = arith.constant 64 : index
    %swap3A_427 = tpu.vector_load %arg5[%swap3A_426] {strides = array<i32>} : memref<2048xf32, #tpu.memory_space<vmem>>, vector<16xf32>,
    tpu.vector_store %arg5[%swap3A_426], %add3A_425 {strides = array<i32>} : memref<2048xf32, #tpu.memory_space<vmem>>, vector<16xf32>,
    %get3A_428 = arith.constant 80 : index
    %get3A_429 = tpu.vector_load %arg5[%get3A_428] {strides = array<i32>} : memref<2048xf32, #tpu.memory_space<vmem>>, vector<16xf32>,
    %get3A_430 = arith.constant 464 : index
    %get3A_431 = tpu.vector_load %arg5[%get3A_430] {strides = array<i32>} : memref<2048xf32, #tpu.memory_space<vmem>>, vector<16xf32>,
    %add3A_432 = arith.addf %get3A_429, %get3A_431 : vector<16xf32>
    %swap3A_433 = arith.constant 80 : index
    %swap3A_434 = tpu.vector_load %arg5[%swap3A_433] {strides = array<i32>} : memref<2048xf32, #tpu.memory_space<vmem>>, vector<16xf32>,
    tpu.vector_store %arg5[%swap3A_433], %add3A_432 {strides = array<i32>} : memref<2048xf32, #tpu.memory_space<vmem>>, vector<16xf32>,
    %get3A_435 = arith.constant 96 : index
    %get3A_436 = tpu.vector_load %arg5[%get3A_435] {strides = array<i32>} : memref<2048xf32, #tpu.memory_space<vmem>>, vector<16xf32>,
    %get3A_437 = arith.constant 480 : index
    %get3A_438 = tpu.vector_load %arg5[%get3A_437] {strides = array<i32>} : memref<2048xf32, #tpu.memory_space<vmem>>, vector<16xf32>,
    %add3A_439 = arith.addf %get3A_436, %get3A_438 : vector<16xf32>
    %swap3A_440 = arith.constant 96 : index
    %swap3A_441 = tpu.vector_load %arg5[%swap3A_440] {strides = array<i32>} : memref<2048xf32, #tpu.memory_space<vmem>>, vector<16xf32>,
    tpu.vector_store %arg5[%swap3A_440], %add3A_439 {strides = array<i32>} : memref<2048xf32, #tpu.memory_space<vmem>>, vector<16xf32>,
    %get3A_442 = arith.constant 112 : index
    %get3A_443 = tpu.vector_load %arg5[%get3A_442] {strides = array<i32>} : memref<2048xf32, #tpu.memory_space<vmem>>, vector<16xf32>,
    %get3A_444 = arith.constant 496 : index
    %get3A_445 = tpu.vector_load %arg5[%get3A_444] {strides = array<i32>} : memref<2048xf32, #tpu.memory_space<vmem>>, vector<16xf32>,
    %add3A_446 = arith.addf %get3A_443, %get3A_445 : vector<16xf32>
    %swap3A_447 = arith.constant 112 : index
    %swap3A_448 = tpu.vector_load %arg5[%swap3A_447] {strides = array<i32>} : memref<2048xf32, #tpu.memory_space<vmem>>, vector<16xf32>,
    tpu.vector_store %arg5[%swap3A_447], %add3A_446 {strides = array<i32>} : memref<2048xf32, #tpu.memory_space<vmem>>, vector<16xf32>,
    %get3A_449 = arith.constant 0 : index
    %get3A_450 = tpu.vector_load %arg5[%get3A_449] {strides = array<i32>} : memref<2048xf32, #tpu.memory_space<vmem>>, vector<16xf32>,
    %get3A_451 = arith.constant 512 : index
    %get3A_452 = tpu.vector_load %arg5[%get3A_451] {strides = array<i32>} : memref<2048xf32, #tpu.memory_space<vmem>>, vector<16xf32>,
    %add3A_453 = arith.addf %get3A_450, %get3A_452 : vector<16xf32>
    %swap3A_454 = arith.constant 0 : index
    %swap3A_455 = tpu.vector_load %arg5[%swap3A_454] {strides = array<i32>} : memref<2048xf32, #tpu.memory_space<vmem>>, vector<16xf32>,
    tpu.vector_store %arg5[%swap3A_454], %add3A_453 {strides = array<i32>} : memref<2048xf32, #tpu.memory_space<vmem>>, vector<16xf32>,
    %get3A_456 = arith.constant 16 : index
    %get3A_457 = tpu.vector_load %arg5[%get3A_456] {strides = array<i32>} : memref<2048xf32, #tpu.memory_space<vmem>>, vector<16xf32>,
    %get3A_458 = arith.constant 528 : index
    %get3A_459 = tpu.vector_load %arg5[%get3A_458] {strides = array<i32>} : memref<2048xf32, #tpu.memory_space<vmem>>, vector<16xf32>,
    %add3A_460 = arith.addf %get3A_457, %get3A_459 : vector<16xf32>
    %swap3A_461 = arith.constant 16 : index
    %swap3A_462 = tpu.vector_load %arg5[%swap3A_461] {strides = array<i32>} : memref<2048xf32, #tpu.memory_space<vmem>>, vector<16xf32>,
    tpu.vector_store %arg5[%swap3A_461], %add3A_460 {strides = array<i32>} : memref<2048xf32, #tpu.memory_space<vmem>>, vector<16xf32>,
    %get3A_463 = arith.constant 32 : index
    %get3A_464 = tpu.vector_load %arg5[%get3A_463] {strides = array<i32>} : memref<2048xf32, #tpu.memory_space<vmem>>, vector<16xf32>,
    %get3A_465 = arith.constant 544 : index
    %get3A_466 = tpu.vector_load %arg5[%get3A_465] {strides = array<i32>} : memref<2048xf32, #tpu.memory_space<vmem>>, vector<16xf32>,
    %add3A_467 = arith.addf %get3A_464, %get3A_466 : vector<16xf32>
    %swap3A_468 = arith.constant 32 : index
    %swap3A_469 = tpu.vector_load %arg5[%swap3A_468] {strides = array<i32>} : memref<2048xf32, #tpu.memory_space<vmem>>, vector<16xf32>,
    tpu.vector_store %arg5[%swap3A_468], %add3A_467 {strides = array<i32>} : memref<2048xf32, #tpu.memory_space<vmem>>, vector<16xf32>,
    %get3A_470 = arith.constant 48 : index
    %get3A_471 = tpu.vector_load %arg5[%get3A_470] {strides = array<i32>} : memref<2048xf32, #tpu.memory_space<vmem>>, vector<16xf32>,
    %get3A_472 = arith.constant 560 : index
    %get3A_473 = tpu.vector_load %arg5[%get3A_472] {strides = array<i32>} : memref<2048xf32, #tpu.memory_space<vmem>>, vector<16xf32>,
    %add3A_474 = arith.addf %get3A_471, %get3A_473 : vector<16xf32>
    %swap3A_475 = arith.constant 48 : index
    %swap3A_476 = tpu.vector_load %arg5[%swap3A_475] {strides = array<i32>} : memref<2048xf32, #tpu.memory_space<vmem>>, vector<16xf32>,
    tpu.vector_store %arg5[%swap3A_475], %add3A_474 {strides = array<i32>} : memref<2048xf32, #tpu.memory_space<vmem>>, vector<16xf32>,
    %get3A_477 = arith.constant 64 : index
    %get3A_478 = tpu.vector_load %arg5[%get3A_477] {strides = array<i32>} : memref<2048xf32, #tpu.memory_space<vmem>>, vector<16xf32>,
    %get3A_479 = arith.constant 576 : index
    %get3A_480 = tpu.vector_load %arg5[%get3A_479] {strides = array<i32>} : memref<2048xf32, #tpu.memory_space<vmem>>, vector<16xf32>,
    %add3A_481 = arith.addf %get3A_478, %get3A_480 : vector<16xf32>
    %swap3A_482 = arith.constant 64 : index
    %swap3A_483 = tpu.vector_load %arg5[%swap3A_482] {strides = array<i32>} : memref<2048xf32, #tpu.memory_space<vmem>>, vector<16xf32>,
    tpu.vector_store %arg5[%swap3A_482], %add3A_481 {strides = array<i32>} : memref<2048xf32, #tpu.memory_space<vmem>>, vector<16xf32>,
    %get3A_484 = arith.constant 80 : index
    %get3A_485 = tpu.vector_load %arg5[%get3A_484] {strides = array<i32>} : memref<2048xf32, #tpu.memory_space<vmem>>, vector<16xf32>,
    %get3A_486 = arith.constant 592 : index
    %get3A_487 = tpu.vector_load %arg5[%get3A_486] {strides = array<i32>} : memref<2048xf32, #tpu.memory_space<vmem>>, vector<16xf32>,
    %add3A_488 = arith.addf %get3A_485, %get3A_487 : vector<16xf32>
    %swap3A_489 = arith.constant 80 : index
    %swap3A_490 = tpu.vector_load %arg5[%swap3A_489] {strides = array<i32>} : memref<2048xf32, #tpu.memory_space<vmem>>, vector<16xf32>,
    tpu.vector_store %arg5[%swap3A_489], %add3A_488 {strides = array<i32>} : memref<2048xf32, #tpu.memory_space<vmem>>, vector<16xf32>,
    %get3A_491 = arith.constant 96 : index
    %get3A_492 = tpu.vector_load %arg5[%get3A_491] {strides = array<i32>} : memref<2048xf32, #tpu.memory_space<vmem>>, vector<16xf32>,
    %get3A_493 = arith.constant 608 : index
    %get3A_494 = tpu.vector_load %arg5[%get3A_493] {strides = array<i32>} : memref<2048xf32, #tpu.memory_space<vmem>>, vector<16xf32>,
    %add3A_495 = arith.addf %get3A_492, %get3A_494 : vector<16xf32>
    %swap3A_496 = arith.constant 96 : index
    %swap3A_497 = tpu.vector_load %arg5[%swap3A_496] {strides = array<i32>} : memref<2048xf32, #tpu.memory_space<vmem>>, vector<16xf32>,
    tpu.vector_store %arg5[%swap3A_496], %add3A_495 {strides = array<i32>} : memref<2048xf32, #tpu.memory_space<vmem>>, vector<16xf32>,
    %get3A_498 = arith.constant 112 : index
    %get3A_499 = tpu.vector_load %arg5[%get3A_498] {strides = array<i32>} : memref<2048xf32, #tpu.memory_space<vmem>>, vector<16xf32>,
    %get3A_500 = arith.constant 624 : index
    %get3A_501 = tpu.vector_load %arg5[%get3A_500] {strides = array<i32>} : memref<2048xf32, #tpu.memory_space<vmem>>, vector<16xf32>,
    %add3A_502 = arith.addf %get3A_499, %get3A_501 : vector<16xf32>
    %swap3A_503 = arith.constant 112 : index
    %swap3A_504 = tpu.vector_load %arg5[%swap3A_503] {strides = array<i32>} : memref<2048xf32, #tpu.memory_space<vmem>>, vector<16xf32>,
    tpu.vector_store %arg5[%swap3A_503], %add3A_502 {strides = array<i32>} : memref<2048xf32, #tpu.memory_space<vmem>>, vector<16xf32>,
    %get3A_505 = arith.constant 0 : index
    %get3A_506 = tpu.vector_load %arg5[%get3A_505] {strides = array<i32>} : memref<2048xf32, #tpu.memory_space<vmem>>, vector<16xf32>,
    %get3A_507 = arith.constant 640 : index
    %get3A_508 = tpu.vector_load %arg5[%get3A_507] {strides = array<i32>} : memref<2048xf32, #tpu.memory_space<vmem>>, vector<16xf32>,
    %add3A_509 = arith.addf %get3A_506, %get3A_508 : vector<16xf32>
    %swap3A_510 = arith.constant 0 : index
    %swap3A_511 = tpu.vector_load %arg5[%swap3A_510] {strides = array<i32>} : memref<2048xf32, #tpu.memory_space<vmem>>, vector<16xf32>,
    tpu.vector_store %arg5[%swap3A_510], %add3A_509 {strides = array<i32>} : memref<2048xf32, #tpu.memory_space<vmem>>, vector<16xf32>,
    %get3A_512 = arith.constant 16 : index
    %get3A_513 = tpu.vector_load %arg5[%get3A_512] {strides = array<i32>} : memref<2048xf32, #tpu.memory_space<vmem>>, vector<16xf32>,
    %get3A_514 = arith.constant 656 : index
    %get3A_515 = tpu.vector_load %arg5[%get3A_514] {strides = array<i32>} : memref<2048xf32, #tpu.memory_space<vmem>>, vector<16xf32>,
    %add3A_516 = arith.addf %get3A_513, %get3A_515 : vector<16xf32>
    %swap3A_517 = arith.constant 16 : index
    %swap3A_518 = tpu.vector_load %arg5[%swap3A_517] {strides = array<i32>} : memref<2048xf32, #tpu.memory_space<vmem>>, vector<16xf32>,
    tpu.vector_store %arg5[%swap3A_517], %add3A_516 {strides = array<i32>} : memref<2048xf32, #tpu.memory_space<vmem>>, vector<16xf32>,
    %get3A_519 = arith.constant 32 : index
    %get3A_520 = tpu.vector_load %arg5[%get3A_519] {strides = array<i32>} : memref<2048xf32, #tpu.memory_space<vmem>>, vector<16xf32>,
    %get3A_521 = arith.constant 672 : index
    %get3A_522 = tpu.vector_load %arg5[%get3A_521] {strides = array<i32>} : memref<2048xf32, #tpu.memory_space<vmem>>, vector<16xf32>,
    %add3A_523 = arith.addf %get3A_520, %get3A_522 : vector<16xf32>
    %swap3A_524 = arith.constant 32 : index
    %swap3A_525 = tpu.vector_load %arg5[%swap3A_524] {strides = array<i32>} : memref<2048xf32, #tpu.memory_space<vmem>>, vector<16xf32>,
    tpu.vector_store %arg5[%swap3A_524], %add3A_523 {strides = array<i32>} : memref<2048xf32, #tpu.memory_space<vmem>>, vector<16xf32>,
    %get3A_526 = arith.constant 48 : index
    %get3A_527 = tpu.vector_load %arg5[%get3A_526] {strides = array<i32>} : memref<2048xf32, #tpu.memory_space<vmem>>, vector<16xf32>,
    %get3A_528 = arith.constant 688 : index
    %get3A_529 = tpu.vector_load %arg5[%get3A_528] {strides = array<i32>} : memref<2048xf32, #tpu.memory_space<vmem>>, vector<16xf32>,
    %add3A_530 = arith.addf %get3A_527, %get3A_529 : vector<16xf32>
    %swap3A_531 = arith.constant 48 : index
    %swap3A_532 = tpu.vector_load %arg5[%swap3A_531] {strides = array<i32>} : memref<2048xf32, #tpu.memory_space<vmem>>, vector<16xf32>,
    tpu.vector_store %arg5[%swap3A_531], %add3A_530 {strides = array<i32>} : memref<2048xf32, #tpu.memory_space<vmem>>, vector<16xf32>,
    %get3A_533 = arith.constant 64 : index
    %get3A_534 = tpu.vector_load %arg5[%get3A_533] {strides = array<i32>} : memref<2048xf32, #tpu.memory_space<vmem>>, vector<16xf32>,
    %get3A_535 = arith.constant 704 : index
    %get3A_536 = tpu.vector_load %arg5[%get3A_535] {strides = array<i32>} : memref<2048xf32, #tpu.memory_space<vmem>>, vector<16xf32>,
    %add3A_537 = arith.addf %get3A_534, %get3A_536 : vector<16xf32>
    %swap3A_538 = arith.constant 64 : index
    %swap3A_539 = tpu.vector_load %arg5[%swap3A_538] {strides = array<i32>} : memref<2048xf32, #tpu.memory_space<vmem>>, vector<16xf32>,
    tpu.vector_store %arg5[%swap3A_538], %add3A_537 {strides = array<i32>} : memref<2048xf32, #tpu.memory_space<vmem>>, vector<16xf32>,
    %get3A_540 = arith.constant 80 : index
    %get3A_541 = tpu.vector_load %arg5[%get3A_540] {strides = array<i32>} : memref<2048xf32, #tpu.memory_space<vmem>>, vector<16xf32>,
    %get3A_542 = arith.constant 720 : index
    %get3A_543 = tpu.vector_load %arg5[%get3A_542] {strides = array<i32>} : memref<2048xf32, #tpu.memory_space<vmem>>, vector<16xf32>,
    %add3A_544 = arith.addf %get3A_541, %get3A_543 : vector<16xf32>
    %swap3A_545 = arith.constant 80 : index
    %swap3A_546 = tpu.vector_load %arg5[%swap3A_545] {strides = array<i32>} : memref<2048xf32, #tpu.memory_space<vmem>>, vector<16xf32>,
    tpu.vector_store %arg5[%swap3A_545], %add3A_544 {strides = array<i32>} : memref<2048xf32, #tpu.memory_space<vmem>>, vector<16xf32>,
    %get3A_547 = arith.constant 96 : index
    %get3A_548 = tpu.vector_load %arg5[%get3A_547] {strides = array<i32>} : memref<2048xf32, #tpu.memory_space<vmem>>, vector<16xf32>,
    %get3A_549 = arith.constant 736 : index
    %get3A_550 = tpu.vector_load %arg5[%get3A_549] {strides = array<i32>} : memref<2048xf32, #tpu.memory_space<vmem>>, vector<16xf32>,
    %add3A_551 = arith.addf %get3A_548, %get3A_550 : vector<16xf32>
    %swap3A_552 = arith.constant 96 : index
    %swap3A_553 = tpu.vector_load %arg5[%swap3A_552] {strides = array<i32>} : memref<2048xf32, #tpu.memory_space<vmem>>, vector<16xf32>,
    tpu.vector_store %arg5[%swap3A_552], %add3A_551 {strides = array<i32>} : memref<2048xf32, #tpu.memory_space<vmem>>, vector<16xf32>,
    %get3A_554 = arith.constant 112 : index
    %get3A_555 = tpu.vector_load %arg5[%get3A_554] {strides = array<i32>} : memref<2048xf32, #tpu.memory_space<vmem>>, vector<16xf32>,
    %get3A_556 = arith.constant 752 : index
    %get3A_557 = tpu.vector_load %arg5[%get3A_556] {strides = array<i32>} : memref<2048xf32, #tpu.memory_space<vmem>>, vector<16xf32>,
    %add3A_558 = arith.addf %get3A_555, %get3A_557 : vector<16xf32>
    %swap3A_559 = arith.constant 112 : index
    %swap3A_560 = tpu.vector_load %arg5[%swap3A_559] {strides = array<i32>} : memref<2048xf32, #tpu.memory_space<vmem>>, vector<16xf32>,
    tpu.vector_store %arg5[%swap3A_559], %add3A_558 {strides = array<i32>} : memref<2048xf32, #tpu.memory_space<vmem>>, vector<16xf32>,
    %get3A_561 = arith.constant 0 : index
    %get3A_562 = tpu.vector_load %arg5[%get3A_561] {strides = array<i32>} : memref<2048xf32, #tpu.memory_space<vmem>>, vector<16xf32>,
    %get3A_563 = arith.constant 768 : index
    %get3A_564 = tpu.vector_load %arg5[%get3A_563] {strides = array<i32>} : memref<2048xf32, #tpu.memory_space<vmem>>, vector<16xf32>,
    %add3A_565 = arith.addf %get3A_562, %get3A_564 : vector<16xf32>
    %swap3A_566 = arith.constant 0 : index
    %swap3A_567 = tpu.vector_load %arg5[%swap3A_566] {strides = array<i32>} : memref<2048xf32, #tpu.memory_space<vmem>>, vector<16xf32>,
    tpu.vector_store %arg5[%swap3A_566], %add3A_565 {strides = array<i32>} : memref<2048xf32, #tpu.memory_space<vmem>>, vector<16xf32>,
    %get3A_568 = arith.constant 16 : index
    %get3A_569 = tpu.vector_load %arg5[%get3A_568] {strides = array<i32>} : memref<2048xf32, #tpu.memory_space<vmem>>, vector<16xf32>,
    %get3A_570 = arith.constant 784 : index
    %get3A_571 = tpu.vector_load %arg5[%get3A_570] {strides = array<i32>} : memref<2048xf32, #tpu.memory_space<vmem>>, vector<16xf32>,
    %add3A_572 = arith.addf %get3A_569, %get3A_571 : vector<16xf32>
    %swap3A_573 = arith.constant 16 : index
    %swap3A_574 = tpu.vector_load %arg5[%swap3A_573] {strides = array<i32>} : memref<2048xf32, #tpu.memory_space<vmem>>, vector<16xf32>,
    tpu.vector_store %arg5[%swap3A_573], %add3A_572 {strides = array<i32>} : memref<2048xf32, #tpu.memory_space<vmem>>, vector<16xf32>,
    %get3A_575 = arith.constant 32 : index
    %get3A_576 = tpu.vector_load %arg5[%get3A_575] {strides = array<i32>} : memref<2048xf32, #tpu.memory_space<vmem>>, vector<16xf32>,
    %get3A_577 = arith.constant 800 : index
    %get3A_578 = tpu.vector_load %arg5[%get3A_577] {strides = array<i32>} : memref<2048xf32, #tpu.memory_space<vmem>>, vector<16xf32>,
    %add3A_579 = arith.addf %get3A_576, %get3A_578 : vector<16xf32>
    %swap3A_580 = arith.constant 32 : index
    %swap3A_581 = tpu.vector_load %arg5[%swap3A_580] {strides = array<i32>} : memref<2048xf32, #tpu.memory_space<vmem>>, vector<16xf32>,
    tpu.vector_store %arg5[%swap3A_580], %add3A_579 {strides = array<i32>} : memref<2048xf32, #tpu.memory_space<vmem>>, vector<16xf32>,
    %get3A_582 = arith.constant 48 : index
    %get3A_583 = tpu.vector_load %arg5[%get3A_582] {strides = array<i32>} : memref<2048xf32, #tpu.memory_space<vmem>>, vector<16xf32>,
    %get3A_584 = arith.constant 816 : index
    %get3A_585 = tpu.vector_load %arg5[%get3A_584] {strides = array<i32>} : memref<2048xf32, #tpu.memory_space<vmem>>, vector<16xf32>,
    %add3A_586 = arith.addf %get3A_583, %get3A_585 : vector<16xf32>
    %swap3A_587 = arith.constant 48 : index
    %swap3A_588 = tpu.vector_load %arg5[%swap3A_587] {strides = array<i32>} : memref<2048xf32, #tpu.memory_space<vmem>>, vector<16xf32>,
    tpu.vector_store %arg5[%swap3A_587], %add3A_586 {strides = array<i32>} : memref<2048xf32, #tpu.memory_space<vmem>>, vector<16xf32>,
    %get3A_589 = arith.constant 64 : index
    %get3A_590 = tpu.vector_load %arg5[%get3A_589] {strides = array<i32>} : memref<2048xf32, #tpu.memory_space<vmem>>, vector<16xf32>,
    %get3A_591 = arith.constant 832 : index
    %get3A_592 = tpu.vector_load %arg5[%get3A_591] {strides = array<i32>} : memref<2048xf32, #tpu.memory_space<vmem>>, vector<16xf32>,
    %add3A_593 = arith.addf %get3A_590, %get3A_592 : vector<16xf32>
    %swap3A_594 = arith.constant 64 : index
    %swap3A_595 = tpu.vector_load %arg5[%swap3A_594] {strides = array<i32>} : memref<2048xf32, #tpu.memory_space<vmem>>, vector<16xf32>,
    tpu.vector_store %arg5[%swap3A_594], %add3A_593 {strides = array<i32>} : memref<2048xf32, #tpu.memory_space<vmem>>, vector<16xf32>,
    %get3A_596 = arith.constant 80 : index
    %get3A_597 = tpu.vector_load %arg5[%get3A_596] {strides = array<i32>} : memref<2048xf32, #tpu.memory_space<vmem>>, vector<16xf32>,
    %get3A_598 = arith.constant 848 : index
    %get3A_599 = tpu.vector_load %arg5[%get3A_598] {strides = array<i32>} : memref<2048xf32, #tpu.memory_space<vmem>>, vector<16xf32>,
    %add3A_600 = arith.addf %get3A_597, %get3A_599 : vector<16xf32>
    %swap3A_601 = arith.constant 80 : index
    %swap3A_602 = tpu.vector_load %arg5[%swap3A_601] {strides = array<i32>} : memref<2048xf32, #tpu.memory_space<vmem>>, vector<16xf32>,
    tpu.vector_store %arg5[%swap3A_601], %add3A_600 {strides = array<i32>} : memref<2048xf32, #tpu.memory_space<vmem>>, vector<16xf32>,
    %get3A_603 = arith.constant 96 : index
    %get3A_604 = tpu.vector_load %arg5[%get3A_603] {strides = array<i32>} : memref<2048xf32, #tpu.memory_space<vmem>>, vector<16xf32>,
    %get3A_605 = arith.constant 864 : index
    %get3A_606 = tpu.vector_load %arg5[%get3A_605] {strides = array<i32>} : memref<2048xf32, #tpu.memory_space<vmem>>, vector<16xf32>,
    %add3A_607 = arith.addf %get3A_604, %get3A_606 : vector<16xf32>
    %swap3A_608 = arith.constant 96 : index
    %swap3A_609 = tpu.vector_load %arg5[%swap3A_608] {strides = array<i32>} : memref<2048xf32, #tpu.memory_space<vmem>>, vector<16xf32>,
    tpu.vector_store %arg5[%swap3A_608], %add3A_607 {strides = array<i32>} : memref<2048xf32, #tpu.memory_space<vmem>>, vector<16xf32>,
    %get3A_610 = arith.constant 112 : index
    %get3A_611 = tpu.vector_load %arg5[%get3A_610] {strides = array<i32>} : memref<2048xf32, #tpu.memory_space<vmem>>, vector<16xf32>,
    %get3A_612 = arith.constant 880 : index
    %get3A_613 = tpu.vector_load %arg5[%get3A_612] {strides = array<i32>} : memref<2048xf32, #tpu.memory_space<vmem>>, vector<16xf32>,
    %add3A_614 = arith.addf %get3A_611, %get3A_613 : vector<16xf32>
    %swap3A_615 = arith.constant 112 : index
    %swap3A_616 = tpu.vector_load %arg5[%swap3A_615] {strides = array<i32>} : memref<2048xf32, #tpu.memory_space<vmem>>, vector<16xf32>,
    tpu.vector_store %arg5[%swap3A_615], %add3A_614 {strides = array<i32>} : memref<2048xf32, #tpu.memory_space<vmem>>, vector<16xf32>,
    %get3A_617 = arith.constant 0 : index
    %get3A_618 = tpu.vector_load %arg5[%get3A_617] {strides = array<i32>} : memref<2048xf32, #tpu.memory_space<vmem>>, vector<16xf32>,
    %get3A_619 = arith.constant 896 : index
    %get3A_620 = tpu.vector_load %arg5[%get3A_619] {strides = array<i32>} : memref<2048xf32, #tpu.memory_space<vmem>>, vector<16xf32>,
    %add3A_621 = arith.addf %get3A_618, %get3A_620 : vector<16xf32>
    %swap3A_622 = arith.constant 0 : index
    %swap3A_623 = tpu.vector_load %arg5[%swap3A_622] {strides = array<i32>} : memref<2048xf32, #tpu.memory_space<vmem>>, vector<16xf32>,
    tpu.vector_store %arg5[%swap3A_622], %add3A_621 {strides = array<i32>} : memref<2048xf32, #tpu.memory_space<vmem>>, vector<16xf32>,
    %get3A_624 = arith.constant 16 : index
    %get3A_625 = tpu.vector_load %arg5[%get3A_624] {strides = array<i32>} : memref<2048xf32, #tpu.memory_space<vmem>>, vector<16xf32>,
    %get3A_626 = arith.constant 912 : index
    %get3A_627 = tpu.vector_load %arg5[%get3A_626] {strides = array<i32>} : memref<2048xf32, #tpu.memory_space<vmem>>, vector<16xf32>,
    %add3A_628 = arith.addf %get3A_625, %get3A_627 : vector<16xf32>
    %swap3A_629 = arith.constant 16 : index
    %swap3A_630 = tpu.vector_load %arg5[%swap3A_629] {strides = array<i32>} : memref<2048xf32, #tpu.memory_space<vmem>>, vector<16xf32>,
    tpu.vector_store %arg5[%swap3A_629], %add3A_628 {strides = array<i32>} : memref<2048xf32, #tpu.memory_space<vmem>>, vector<16xf32>,
    %get3A_631 = arith.constant 32 : index
    %get3A_632 = tpu.vector_load %arg5[%get3A_631] {strides = array<i32>} : memref<2048xf32, #tpu.memory_space<vmem>>, vector<16xf32>,
    %get3A_633 = arith.constant 928 : index
    %get3A_634 = tpu.vector_load %arg5[%get3A_633] {strides = array<i32>} : memref<2048xf32, #tpu.memory_space<vmem>>, vector<16xf32>,
    %add3A_635 = arith.addf %get3A_632, %get3A_634 : vector<16xf32>
    %swap3A_636 = arith.constant 32 : index
    %swap3A_637 = tpu.vector_load %arg5[%swap3A_636] {strides = array<i32>} : memref<2048xf32, #tpu.memory_space<vmem>>, vector<16xf32>,
    tpu.vector_store %arg5[%swap3A_636], %add3A_635 {strides = array<i32>} : memref<2048xf32, #tpu.memory_space<vmem>>, vector<16xf32>,
    %get3A_638 = arith.constant 48 : index
    %get3A_639 = tpu.vector_load %arg5[%get3A_638] {strides = array<i32>} : memref<2048xf32, #tpu.memory_space<vmem>>, vector<16xf32>,
    %get3A_640 = arith.constant 944 : index
    %get3A_641 = tpu.vector_load %arg5[%get3A_640] {strides = array<i32>} : memref<2048xf32, #tpu.memory_space<vmem>>, vector<16xf32>,
    %add3A_642 = arith.addf %get3A_639, %get3A_641 : vector<16xf32>
    %swap3A_643 = arith.constant 48 : index
    %swap3A_644 = tpu.vector_load %arg5[%swap3A_643] {strides = array<i32>} : memref<2048xf32, #tpu.memory_space<vmem>>, vector<16xf32>,
    tpu.vector_store %arg5[%swap3A_643], %add3A_642 {strides = array<i32>} : memref<2048xf32, #tpu.memory_space<vmem>>, vector<16xf32>,
    %get3A_645 = arith.constant 64 : index
    %get3A_646 = tpu.vector_load %arg5[%get3A_645] {strides = array<i32>} : memref<2048xf32, #tpu.memory_space<vmem>>, vector<16xf32>,
    %get3A_647 = arith.constant 960 : index
    %get3A_648 = tpu.vector_load %arg5[%get3A_647] {strides = array<i32>} : memref<2048xf32, #tpu.memory_space<vmem>>, vector<16xf32>,
    %add3A_649 = arith.addf %get3A_646, %get3A_648 : vector<16xf32>
    %swap3A_650 = arith.constant 64 : index
    %swap3A_651 = tpu.vector_load %arg5[%swap3A_650] {strides = array<i32>} : memref<2048xf32, #tpu.memory_space<vmem>>, vector<16xf32>,
    tpu.vector_store %arg5[%swap3A_650], %add3A_649 {strides = array<i32>} : memref<2048xf32, #tpu.memory_space<vmem>>, vector<16xf32>,
    %get3A_652 = arith.constant 80 : index
    %get3A_653 = tpu.vector_load %arg5[%get3A_652] {strides = array<i32>} : memref<2048xf32, #tpu.memory_space<vmem>>, vector<16xf32>,
    %get3A_654 = arith.constant 976 : index
    %get3A_655 = tpu.vector_load %arg5[%get3A_654] {strides = array<i32>} : memref<2048xf32, #tpu.memory_space<vmem>>, vector<16xf32>,
    %add3A_656 = arith.addf %get3A_653, %get3A_655 : vector<16xf32>
    %swap3A_657 = arith.constant 80 : index
    %swap3A_658 = tpu.vector_load %arg5[%swap3A_657] {strides = array<i32>} : memref<2048xf32, #tpu.memory_space<vmem>>, vector<16xf32>,
    tpu.vector_store %arg5[%swap3A_657], %add3A_656 {strides = array<i32>} : memref<2048xf32, #tpu.memory_space<vmem>>, vector<16xf32>,
    %get3A_659 = arith.constant 96 : index
    %get3A_660 = tpu.vector_load %arg5[%get3A_659] {strides = array<i32>} : memref<2048xf32, #tpu.memory_space<vmem>>, vector<16xf32>,
    %get3A_661 = arith.constant 992 : index
    %get3A_662 = tpu.vector_load %arg5[%get3A_661] {strides = array<i32>} : memref<2048xf32, #tpu.memory_space<vmem>>, vector<16xf32>,
    %add3A_663 = arith.addf %get3A_660, %get3A_662 : vector<16xf32>
    %swap3A_664 = arith.constant 96 : index
    %swap3A_665 = tpu.vector_load %arg5[%swap3A_664] {strides = array<i32>} : memref<2048xf32, #tpu.memory_space<vmem>>, vector<16xf32>,
    tpu.vector_store %arg5[%swap3A_664], %add3A_663 {strides = array<i32>} : memref<2048xf32, #tpu.memory_space<vmem>>, vector<16xf32>,
    %get3A_666 = arith.constant 112 : index
    %get3A_667 = tpu.vector_load %arg5[%get3A_666] {strides = array<i32>} : memref<2048xf32, #tpu.memory_space<vmem>>, vector<16xf32>,
    %get3A_668 = arith.constant 1008 : index
    %get3A_669 = tpu.vector_load %arg5[%get3A_668] {strides = array<i32>} : memref<2048xf32, #tpu.memory_space<vmem>>, vector<16xf32>,
    %add3A_670 = arith.addf %get3A_667, %get3A_669 : vector<16xf32>
    %swap3A_671 = arith.constant 112 : index
    %swap3A_672 = tpu.vector_load %arg5[%swap3A_671] {strides = array<i32>} : memref<2048xf32, #tpu.memory_space<vmem>>, vector<16xf32>,
    tpu.vector_store %arg5[%swap3A_671], %add3A_670 {strides = array<i32>} : memref<2048xf32, #tpu.memory_space<vmem>>, vector<16xf32>,
    %get3A_673 = arith.constant 0 : index
    %get3A_674 = tpu.vector_load %arg5[%get3A_673] {strides = array<i32>} : memref<2048xf32, #tpu.memory_space<vmem>>, vector<16xf32>,
    %get3A_675 = arith.constant 1024 : index
    %get3A_676 = tpu.vector_load %arg5[%get3A_675] {strides = array<i32>} : memref<2048xf32, #tpu.memory_space<vmem>>, vector<16xf32>,
    %add3A_677 = arith.addf %get3A_674, %get3A_676 : vector<16xf32>
    %swap3A_678 = arith.constant 0 : index
    %swap3A_679 = tpu.vector_load %arg5[%swap3A_678] {strides = array<i32>} : memref<2048xf32, #tpu.memory_space<vmem>>, vector<16xf32>,
    tpu.vector_store %arg5[%swap3A_678], %add3A_677 {strides = array<i32>} : memref<2048xf32, #tpu.memory_space<vmem>>, vector<16xf32>,
    %get3A_680 = arith.constant 16 : index
    %get3A_681 = tpu.vector_load %arg5[%get3A_680] {strides = array<i32>} : memref<2048xf32, #tpu.memory_space<vmem>>, vector<16xf32>,
    %get3A_682 = arith.constant 1040 : index
    %get3A_683 = tpu.vector_load %arg5[%get3A_682] {strides = array<i32>} : memref<2048xf32, #tpu.memory_space<vmem>>, vector<16xf32>,
    %add3A_684 = arith.addf %get3A_681, %get3A_683 : vector<16xf32>
    %swap3A_685 = arith.constant 16 : index
    %swap3A_686 = tpu.vector_load %arg5[%swap3A_685] {strides = array<i32>} : memref<2048xf32, #tpu.memory_space<vmem>>, vector<16xf32>,
    tpu.vector_store %arg5[%swap3A_685], %add3A_684 {strides = array<i32>} : memref<2048xf32, #tpu.memory_space<vmem>>, vector<16xf32>,
    %get3A_687 = arith.constant 32 : index
    %get3A_688 = tpu.vector_load %arg5[%get3A_687] {strides = array<i32>} : memref<2048xf32, #tpu.memory_space<vmem>>, vector<16xf32>,
    %get3A_689 = arith.constant 1056 : index
    %get3A_690 = tpu.vector_load %arg5[%get3A_689] {strides = array<i32>} : memref<2048xf32, #tpu.memory_space<vmem>>, vector<16xf32>,
    %add3A_691 = arith.addf %get3A_688, %get3A_690 : vector<16xf32>
    %swap3A_692 = arith.constant 32 : index
    %swap3A_693 = tpu.vector_load %arg5[%swap3A_692] {strides = array<i32>} : memref<2048xf32, #tpu.memory_space<vmem>>, vector<16xf32>,
    tpu.vector_store %arg5[%swap3A_692], %add3A_691 {strides = array<i32>} : memref<2048xf32, #tpu.memory_space<vmem>>, vector<16xf32>,
    %get3A_694 = arith.constant 48 : index
    %get3A_695 = tpu.vector_load %arg5[%get3A_694] {strides = array<i32>} : memref<2048xf32, #tpu.memory_space<vmem>>, vector<16xf32>,
    %get3A_696 = arith.constant 1072 : index
    %get3A_697 = tpu.vector_load %arg5[%get3A_696] {strides = array<i32>} : memref<2048xf32, #tpu.memory_space<vmem>>, vector<16xf32>,
    %add3A_698 = arith.addf %get3A_695, %get3A_697 : vector<16xf32>
    %swap3A_699 = arith.constant 48 : index
    %swap3A_700 = tpu.vector_load %arg5[%swap3A_699] {strides = array<i32>} : memref<2048xf32, #tpu.memory_space<vmem>>, vector<16xf32>,
    tpu.vector_store %arg5[%swap3A_699], %add3A_698 {strides = array<i32>} : memref<2048xf32, #tpu.memory_space<vmem>>, vector<16xf32>,
    %get3A_701 = arith.constant 64 : index
    %get3A_702 = tpu.vector_load %arg5[%get3A_701] {strides = array<i32>} : memref<2048xf32, #tpu.memory_space<vmem>>, vector<16xf32>,
    %get3A_703 = arith.constant 1088 : index
    %get3A_704 = tpu.vector_load %arg5[%get3A_703] {strides = array<i32>} : memref<2048xf32, #tpu.memory_space<vmem>>, vector<16xf32>,
    %add3A_705 = arith.addf %get3A_702, %get3A_704 : vector<16xf32>
    %swap3A_706 = arith.constant 64 : index
    %swap3A_707 = tpu.vector_load %arg5[%swap3A_706] {strides = array<i32>} : memref<2048xf32, #tpu.memory_space<vmem>>, vector<16xf32>,
    tpu.vector_store %arg5[%swap3A_706], %add3A_705 {strides = array<i32>} : memref<2048xf32, #tpu.memory_space<vmem>>, vector<16xf32>,
    %get3A_708 = arith.constant 80 : index
    %get3A_709 = tpu.vector_load %arg5[%get3A_708] {strides = array<i32>} : memref<2048xf32, #tpu.memory_space<vmem>>, vector<16xf32>,
    %get3A_710 = arith.constant 1104 : index
    %get3A_711 = tpu.vector_load %arg5[%get3A_710] {strides = array<i32>} : memref<2048xf32, #tpu.memory_space<vmem>>, vector<16xf32>,
    %add3A_712 = arith.addf %get3A_709, %get3A_711 : vector<16xf32>
    %swap3A_713 = arith.constant 80 : index
    %swap3A_714 = tpu.vector_load %arg5[%swap3A_713] {strides = array<i32>} : memref<2048xf32, #tpu.memory_space<vmem>>, vector<16xf32>,
    tpu.vector_store %arg5[%swap3A_713], %add3A_712 {strides = array<i32>} : memref<2048xf32, #tpu.memory_space<vmem>>, vector<16xf32>,
    %get3A_715 = arith.constant 96 : index
    %get3A_716 = tpu.vector_load %arg5[%get3A_715] {strides = array<i32>} : memref<2048xf32, #tpu.memory_space<vmem>>, vector<16xf32>,
    %get3A_717 = arith.constant 1120 : index
    %get3A_718 = tpu.vector_load %arg5[%get3A_717] {strides = array<i32>} : memref<2048xf32, #tpu.memory_space<vmem>>, vector<16xf32>,
    %add3A_719 = arith.addf %get3A_716, %get3A_718 : vector<16xf32>
    %swap3A_720 = arith.constant 96 : index
    %swap3A_721 = tpu.vector_load %arg5[%swap3A_720] {strides = array<i32>} : memref<2048xf32, #tpu.memory_space<vmem>>, vector<16xf32>,
    tpu.vector_store %arg5[%swap3A_720], %add3A_719 {strides = array<i32>} : memref<2048xf32, #tpu.memory_space<vmem>>, vector<16xf32>,
    %get3A_722 = arith.constant 112 : index
    %get3A_723 = tpu.vector_load %arg5[%get3A_722] {strides = array<i32>} : memref<2048xf32, #tpu.memory_space<vmem>>, vector<16xf32>,
    %get3A_724 = arith.constant 1136 : index
    %get3A_725 = tpu.vector_load %arg5[%get3A_724] {strides = array<i32>} : memref<2048xf32, #tpu.memory_space<vmem>>, vector<16xf32>,
    %add3A_726 = arith.addf %get3A_723, %get3A_725 : vector<16xf32>
    %swap3A_727 = arith.constant 112 : index
    %swap3A_728 = tpu.vector_load %arg5[%swap3A_727] {strides = array<i32>} : memref<2048xf32, #tpu.memory_space<vmem>>, vector<16xf32>,
    tpu.vector_store %arg5[%swap3A_727], %add3A_726 {strides = array<i32>} : memref<2048xf32, #tpu.memory_space<vmem>>, vector<16xf32>,
    %get3A_729 = arith.constant 0 : index
    %get3A_730 = tpu.vector_load %arg5[%get3A_729] {strides = array<i32>} : memref<2048xf32, #tpu.memory_space<vmem>>, vector<16xf32>,
    %get3A_731 = arith.constant 1152 : index
    %get3A_732 = tpu.vector_load %arg5[%get3A_731] {strides = array<i32>} : memref<2048xf32, #tpu.memory_space<vmem>>, vector<16xf32>,
    %add3A_733 = arith.addf %get3A_730, %get3A_732 : vector<16xf32>
    %swap3A_734 = arith.constant 0 : index
    %swap3A_735 = tpu.vector_load %arg5[%swap3A_734] {strides = array<i32>} : memref<2048xf32, #tpu.memory_space<vmem>>, vector<16xf32>,
    tpu.vector_store %arg5[%swap3A_734], %add3A_733 {strides = array<i32>} : memref<2048xf32, #tpu.memory_space<vmem>>, vector<16xf32>,
    %get3A_736 = arith.constant 16 : index
    %get3A_737 = tpu.vector_load %arg5[%get3A_736] {strides = array<i32>} : memref<2048xf32, #tpu.memory_space<vmem>>, vector<16xf32>,
    %get3A_738 = arith.constant 1168 : index
    %get3A_739 = tpu.vector_load %arg5[%get3A_738] {strides = array<i32>} : memref<2048xf32, #tpu.memory_space<vmem>>, vector<16xf32>,
    %add3A_740 = arith.addf %get3A_737, %get3A_739 : vector<16xf32>
    %swap3A_741 = arith.constant 16 : index
    %swap3A_742 = tpu.vector_load %arg5[%swap3A_741] {strides = array<i32>} : memref<2048xf32, #tpu.memory_space<vmem>>, vector<16xf32>,
    tpu.vector_store %arg5[%swap3A_741], %add3A_740 {strides = array<i32>} : memref<2048xf32, #tpu.memory_space<vmem>>, vector<16xf32>,
    %get3A_743 = arith.constant 32 : index
    %get3A_744 = tpu.vector_load %arg5[%get3A_743] {strides = array<i32>} : memref<2048xf32, #tpu.memory_space<vmem>>, vector<16xf32>,
    %get3A_745 = arith.constant 1184 : index
    %get3A_746 = tpu.vector_load %arg5[%get3A_745] {strides = array<i32>} : memref<2048xf32, #tpu.memory_space<vmem>>, vector<16xf32>,
    %add3A_747 = arith.addf %get3A_744, %get3A_746 : vector<16xf32>
    %swap3A_748 = arith.constant 32 : index
    %swap3A_749 = tpu.vector_load %arg5[%swap3A_748] {strides = array<i32>} : memref<2048xf32, #tpu.memory_space<vmem>>, vector<16xf32>,
    tpu.vector_store %arg5[%swap3A_748], %add3A_747 {strides = array<i32>} : memref<2048xf32, #tpu.memory_space<vmem>>, vector<16xf32>,
    %get3A_750 = arith.constant 48 : index
    %get3A_751 = tpu.vector_load %arg5[%get3A_750] {strides = array<i32>} : memref<2048xf32, #tpu.memory_space<vmem>>, vector<16xf32>,
    %get3A_752 = arith.constant 1200 : index
    %get3A_753 = tpu.vector_load %arg5[%get3A_752] {strides = array<i32>} : memref<2048xf32, #tpu.memory_space<vmem>>, vector<16xf32>,
    %add3A_754 = arith.addf %get3A_751, %get3A_753 : vector<16xf32>
    %swap3A_755 = arith.constant 48 : index
    %swap3A_756 = tpu.vector_load %arg5[%swap3A_755] {strides = array<i32>} : memref<2048xf32, #tpu.memory_space<vmem>>, vector<16xf32>,
    tpu.vector_store %arg5[%swap3A_755], %add3A_754 {strides = array<i32>} : memref<2048xf32, #tpu.memory_space<vmem>>, vector<16xf32>,
    %get3A_757 = arith.constant 64 : index
    %get3A_758 = tpu.vector_load %arg5[%get3A_757] {strides = array<i32>} : memref<2048xf32, #tpu.memory_space<vmem>>, vector<16xf32>,
    %get3A_759 = arith.constant 1216 : index
    %get3A_760 = tpu.vector_load %arg5[%get3A_759] {strides = array<i32>} : memref<2048xf32, #tpu.memory_space<vmem>>, vector<16xf32>,
    %add3A_761 = arith.addf %get3A_758, %get3A_760 : vector<16xf32>
    %swap3A_762 = arith.constant 64 : index
    %swap3A_763 = tpu.vector_load %arg5[%swap3A_762] {strides = array<i32>} : memref<2048xf32, #tpu.memory_space<vmem>>, vector<16xf32>,
    tpu.vector_store %arg5[%swap3A_762], %add3A_761 {strides = array<i32>} : memref<2048xf32, #tpu.memory_space<vmem>>, vector<16xf32>,
    %get3A_764 = arith.constant 80 : index
    %get3A_765 = tpu.vector_load %arg5[%get3A_764] {strides = array<i32>} : memref<2048xf32, #tpu.memory_space<vmem>>, vector<16xf32>,
    %get3A_766 = arith.constant 1232 : index
    %get3A_767 = tpu.vector_load %arg5[%get3A_766] {strides = array<i32>} : memref<2048xf32, #tpu.memory_space<vmem>>, vector<16xf32>,
    %add3A_768 = arith.addf %get3A_765, %get3A_767 : vector<16xf32>
    %swap3A_769 = arith.constant 80 : index
    %swap3A_770 = tpu.vector_load %arg5[%swap3A_769] {strides = array<i32>} : memref<2048xf32, #tpu.memory_space<vmem>>, vector<16xf32>,
    tpu.vector_store %arg5[%swap3A_769], %add3A_768 {strides = array<i32>} : memref<2048xf32, #tpu.memory_space<vmem>>, vector<16xf32>,
    %get3A_771 = arith.constant 96 : index
    %get3A_772 = tpu.vector_load %arg5[%get3A_771] {strides = array<i32>} : memref<2048xf32, #tpu.memory_space<vmem>>, vector<16xf32>,
    %get3A_773 = arith.constant 1248 : index
    %get3A_774 = tpu.vector_load %arg5[%get3A_773] {strides = array<i32>} : memref<2048xf32, #tpu.memory_space<vmem>>, vector<16xf32>,
    %add3A_775 = arith.addf %get3A_772, %get3A_774 : vector<16xf32>
    %swap3A_776 = arith.constant 96 : index
    %swap3A_777 = tpu.vector_load %arg5[%swap3A_776] {strides = array<i32>} : memref<2048xf32, #tpu.memory_space<vmem>>, vector<16xf32>,
    tpu.vector_store %arg5[%swap3A_776], %add3A_775 {strides = array<i32>} : memref<2048xf32, #tpu.memory_space<vmem>>, vector<16xf32>,
    %get3A_778 = arith.constant 112 : index
    %get3A_779 = tpu.vector_load %arg5[%get3A_778] {strides = array<i32>} : memref<2048xf32, #tpu.memory_space<vmem>>, vector<16xf32>,
    %get3A_780 = arith.constant 1264 : index
    %get3A_781 = tpu.vector_load %arg5[%get3A_780] {strides = array<i32>} : memref<2048xf32, #tpu.memory_space<vmem>>, vector<16xf32>,
    %add3A_782 = arith.addf %get3A_779, %get3A_781 : vector<16xf32>
    %swap3A_783 = arith.constant 112 : index
    %swap3A_784 = tpu.vector_load %arg5[%swap3A_783] {strides = array<i32>} : memref<2048xf32, #tpu.memory_space<vmem>>, vector<16xf32>,
    tpu.vector_store %arg5[%swap3A_783], %add3A_782 {strides = array<i32>} : memref<2048xf32, #tpu.memory_space<vmem>>, vector<16xf32>,
    %get3A_785 = arith.constant 0 : index
    %get3A_786 = tpu.vector_load %arg5[%get3A_785] {strides = array<i32>} : memref<2048xf32, #tpu.memory_space<vmem>>, vector<16xf32>,
    %get3A_787 = arith.constant 1280 : index
    %get3A_788 = tpu.vector_load %arg5[%get3A_787] {strides = array<i32>} : memref<2048xf32, #tpu.memory_space<vmem>>, vector<16xf32>,
    %add3A_789 = arith.addf %get3A_786, %get3A_788 : vector<16xf32>
    %swap3A_790 = arith.constant 0 : index
    %swap3A_791 = tpu.vector_load %arg5[%swap3A_790] {strides = array<i32>} : memref<2048xf32, #tpu.memory_space<vmem>>, vector<16xf32>,
    tpu.vector_store %arg5[%swap3A_790], %add3A_789 {strides = array<i32>} : memref<2048xf32, #tpu.memory_space<vmem>>, vector<16xf32>,
    %get3A_792 = arith.constant 16 : index
    %get3A_793 = tpu.vector_load %arg5[%get3A_792] {strides = array<i32>} : memref<2048xf32, #tpu.memory_space<vmem>>, vector<16xf32>,
    %get3A_794 = arith.constant 1296 : index
    %get3A_795 = tpu.vector_load %arg5[%get3A_794] {strides = array<i32>} : memref<2048xf32, #tpu.memory_space<vmem>>, vector<16xf32>,
    %add3A_796 = arith.addf %get3A_793, %get3A_795 : vector<16xf32>
    %swap3A_797 = arith.constant 16 : index
    %swap3A_798 = tpu.vector_load %arg5[%swap3A_797] {strides = array<i32>} : memref<2048xf32, #tpu.memory_space<vmem>>, vector<16xf32>,
    tpu.vector_store %arg5[%swap3A_797], %add3A_796 {strides = array<i32>} : memref<2048xf32, #tpu.memory_space<vmem>>, vector<16xf32>,
    %get3A_799 = arith.constant 32 : index
    %get3A_800 = tpu.vector_load %arg5[%get3A_799] {strides = array<i32>} : memref<2048xf32, #tpu.memory_space<vmem>>, vector<16xf32>,
    %get3A_801 = arith.constant 1312 : index
    %get3A_802 = tpu.vector_load %arg5[%get3A_801] {strides = array<i32>} : memref<2048xf32, #tpu.memory_space<vmem>>, vector<16xf32>,
    %add3A_803 = arith.addf %get3A_800, %get3A_802 : vector<16xf32>
    %swap3A_804 = arith.constant 32 : index
    %swap3A_805 = tpu.vector_load %arg5[%swap3A_804] {strides = array<i32>} : memref<2048xf32, #tpu.memory_space<vmem>>, vector<16xf32>,
    tpu.vector_store %arg5[%swap3A_804], %add3A_803 {strides = array<i32>} : memref<2048xf32, #tpu.memory_space<vmem>>, vector<16xf32>,
    %get3A_806 = arith.constant 48 : index
    %get3A_807 = tpu.vector_load %arg5[%get3A_806] {strides = array<i32>} : memref<2048xf32, #tpu.memory_space<vmem>>, vector<16xf32>,
    %get3A_808 = arith.constant 1328 : index
    %get3A_809 = tpu.vector_load %arg5[%get3A_808] {strides = array<i32>} : memref<2048xf32, #tpu.memory_space<vmem>>, vector<16xf32>,
    %add3A_810 = arith.addf %get3A_807, %get3A_809 : vector<16xf32>
    %swap3A_811 = arith.constant 48 : index
    %swap3A_812 = tpu.vector_load %arg5[%swap3A_811] {strides = array<i32>} : memref<2048xf32, #tpu.memory_space<vmem>>, vector<16xf32>,
    tpu.vector_store %arg5[%swap3A_811], %add3A_810 {strides = array<i32>} : memref<2048xf32, #tpu.memory_space<vmem>>, vector<16xf32>,
    %get3A_813 = arith.constant 64 : index
    %get3A_814 = tpu.vector_load %arg5[%get3A_813] {strides = array<i32>} : memref<2048xf32, #tpu.memory_space<vmem>>, vector<16xf32>,
    %get3A_815 = arith.constant 1344 : index
    %get3A_816 = tpu.vector_load %arg5[%get3A_815] {strides = array<i32>} : memref<2048xf32, #tpu.memory_space<vmem>>, vector<16xf32>,
    %add3A_817 = arith.addf %get3A_814, %get3A_816 : vector<16xf32>
    %swap3A_818 = arith.constant 64 : index
    %swap3A_819 = tpu.vector_load %arg5[%swap3A_818] {strides = array<i32>} : memref<2048xf32, #tpu.memory_space<vmem>>, vector<16xf32>,
    tpu.vector_store %arg5[%swap3A_818], %add3A_817 {strides = array<i32>} : memref<2048xf32, #tpu.memory_space<vmem>>, vector<16xf32>,
    %get3A_820 = arith.constant 80 : index
    %get3A_821 = tpu.vector_load %arg5[%get3A_820] {strides = array<i32>} : memref<2048xf32, #tpu.memory_space<vmem>>, vector<16xf32>,
    %get3A_822 = arith.constant 1360 : index
    %get3A_823 = tpu.vector_load %arg5[%get3A_822] {strides = array<i32>} : memref<2048xf32, #tpu.memory_space<vmem>>, vector<16xf32>,
    %add3A_824 = arith.addf %get3A_821, %get3A_823 : vector<16xf32>
    %swap3A_825 = arith.constant 80 : index
    %swap3A_826 = tpu.vector_load %arg5[%swap3A_825] {strides = array<i32>} : memref<2048xf32, #tpu.memory_space<vmem>>, vector<16xf32>,
    tpu.vector_store %arg5[%swap3A_825], %add3A_824 {strides = array<i32>} : memref<2048xf32, #tpu.memory_space<vmem>>, vector<16xf32>,
    %get3A_827 = arith.constant 96 : index
    %get3A_828 = tpu.vector_load %arg5[%get3A_827] {strides = array<i32>} : memref<2048xf32, #tpu.memory_space<vmem>>, vector<16xf32>,
    %get3A_829 = arith.constant 1376 : index
    %get3A_830 = tpu.vector_load %arg5[%get3A_829] {strides = array<i32>} : memref<2048xf32, #tpu.memory_space<vmem>>, vector<16xf32>,
    %add3A_831 = arith.addf %get3A_828, %get3A_830 : vector<16xf32>
    %swap3A_832 = arith.constant 96 : index
    %swap3A_833 = tpu.vector_load %arg5[%swap3A_832] {strides = array<i32>} : memref<2048xf32, #tpu.memory_space<vmem>>, vector<16xf32>,
    tpu.vector_store %arg5[%swap3A_832], %add3A_831 {strides = array<i32>} : memref<2048xf32, #tpu.memory_space<vmem>>, vector<16xf32>,
    %get3A_834 = arith.constant 112 : index
    %get3A_835 = tpu.vector_load %arg5[%get3A_834] {strides = array<i32>} : memref<2048xf32, #tpu.memory_space<vmem>>, vector<16xf32>,
    %get3A_836 = arith.constant 1392 : index
    %get3A_837 = tpu.vector_load %arg5[%get3A_836] {strides = array<i32>} : memref<2048xf32, #tpu.memory_space<vmem>>, vector<16xf32>,
    %add3A_838 = arith.addf %get3A_835, %get3A_837 : vector<16xf32>
    %swap3A_839 = arith.constant 112 : index
    %swap3A_840 = tpu.vector_load %arg5[%swap3A_839] {strides = array<i32>} : memref<2048xf32, #tpu.memory_space<vmem>>, vector<16xf32>,
    tpu.vector_store %arg5[%swap3A_839], %add3A_838 {strides = array<i32>} : memref<2048xf32, #tpu.memory_space<vmem>>, vector<16xf32>,
    %get3A_841 = arith.constant 0 : index
    %get3A_842 = tpu.vector_load %arg5[%get3A_841] {strides = array<i32>} : memref<2048xf32, #tpu.memory_space<vmem>>, vector<16xf32>,
    %get3A_843 = arith.constant 1408 : index
    %get3A_844 = tpu.vector_load %arg5[%get3A_843] {strides = array<i32>} : memref<2048xf32, #tpu.memory_space<vmem>>, vector<16xf32>,
    %add3A_845 = arith.addf %get3A_842, %get3A_844 : vector<16xf32>
    %swap3A_846 = arith.constant 0 : index
    %swap3A_847 = tpu.vector_load %arg5[%swap3A_846] {strides = array<i32>} : memref<2048xf32, #tpu.memory_space<vmem>>, vector<16xf32>,
    tpu.vector_store %arg5[%swap3A_846], %add3A_845 {strides = array<i32>} : memref<2048xf32, #tpu.memory_space<vmem>>, vector<16xf32>,
    %get3A_848 = arith.constant 16 : index
    %get3A_849 = tpu.vector_load %arg5[%get3A_848] {strides = array<i32>} : memref<2048xf32, #tpu.memory_space<vmem>>, vector<16xf32>,
    %get3A_850 = arith.constant 1424 : index
    %get3A_851 = tpu.vector_load %arg5[%get3A_850] {strides = array<i32>} : memref<2048xf32, #tpu.memory_space<vmem>>, vector<16xf32>,
    %add3A_852 = arith.addf %get3A_849, %get3A_851 : vector<16xf32>
    %swap3A_853 = arith.constant 16 : index
    %swap3A_854 = tpu.vector_load %arg5[%swap3A_853] {strides = array<i32>} : memref<2048xf32, #tpu.memory_space<vmem>>, vector<16xf32>,
    tpu.vector_store %arg5[%swap3A_853], %add3A_852 {strides = array<i32>} : memref<2048xf32, #tpu.memory_space<vmem>>, vector<16xf32>,
    %get3A_855 = arith.constant 32 : index
    %get3A_856 = tpu.vector_load %arg5[%get3A_855] {strides = array<i32>} : memref<2048xf32, #tpu.memory_space<vmem>>, vector<16xf32>,
    %get3A_857 = arith.constant 1440 : index
    %get3A_858 = tpu.vector_load %arg5[%get3A_857] {strides = array<i32>} : memref<2048xf32, #tpu.memory_space<vmem>>, vector<16xf32>,
    %add3A_859 = arith.addf %get3A_856, %get3A_858 : vector<16xf32>
    %swap3A_860 = arith.constant 32 : index
    %swap3A_861 = tpu.vector_load %arg5[%swap3A_860] {strides = array<i32>} : memref<2048xf32, #tpu.memory_space<vmem>>, vector<16xf32>,
    tpu.vector_store %arg5[%swap3A_860], %add3A_859 {strides = array<i32>} : memref<2048xf32, #tpu.memory_space<vmem>>, vector<16xf32>,
    %get3A_862 = arith.constant 48 : index
    %get3A_863 = tpu.vector_load %arg5[%get3A_862] {strides = array<i32>} : memref<2048xf32, #tpu.memory_space<vmem>>, vector<16xf32>,
    %get3A_864 = arith.constant 1456 : index
    %get3A_865 = tpu.vector_load %arg5[%get3A_864] {strides = array<i32>} : memref<2048xf32, #tpu.memory_space<vmem>>, vector<16xf32>,
    %add3A_866 = arith.addf %get3A_863, %get3A_865 : vector<16xf32>
    %swap3A_867 = arith.constant 48 : index
    %swap3A_868 = tpu.vector_load %arg5[%swap3A_867] {strides = array<i32>} : memref<2048xf32, #tpu.memory_space<vmem>>, vector<16xf32>,
    tpu.vector_store %arg5[%swap3A_867], %add3A_866 {strides = array<i32>} : memref<2048xf32, #tpu.memory_space<vmem>>, vector<16xf32>,
    %get3A_869 = arith.constant 64 : index
    %get3A_870 = tpu.vector_load %arg5[%get3A_869] {strides = array<i32>} : memref<2048xf32, #tpu.memory_space<vmem>>, vector<16xf32>,
    %get3A_871 = arith.constant 1472 : index
    %get3A_872 = tpu.vector_load %arg5[%get3A_871] {strides = array<i32>} : memref<2048xf32, #tpu.memory_space<vmem>>, vector<16xf32>,
    %add3A_873 = arith.addf %get3A_870, %get3A_872 : vector<16xf32>
    %swap3A_874 = arith.constant 64 : index
    %swap3A_875 = tpu.vector_load %arg5[%swap3A_874] {strides = array<i32>} : memref<2048xf32, #tpu.memory_space<vmem>>, vector<16xf32>,
    tpu.vector_store %arg5[%swap3A_874], %add3A_873 {strides = array<i32>} : memref<2048xf32, #tpu.memory_space<vmem>>, vector<16xf32>,
    %get3A_876 = arith.constant 80 : index
    %get3A_877 = tpu.vector_load %arg5[%get3A_876] {strides = array<i32>} : memref<2048xf32, #tpu.memory_space<vmem>>, vector<16xf32>,
    %get3A_878 = arith.constant 1488 : index
    %get3A_879 = tpu.vector_load %arg5[%get3A_878] {strides = array<i32>} : memref<2048xf32, #tpu.memory_space<vmem>>, vector<16xf32>,
    %add3A_880 = arith.addf %get3A_877, %get3A_879 : vector<16xf32>
    %swap3A_881 = arith.constant 80 : index
    %swap3A_882 = tpu.vector_load %arg5[%swap3A_881] {strides = array<i32>} : memref<2048xf32, #tpu.memory_space<vmem>>, vector<16xf32>,
    tpu.vector_store %arg5[%swap3A_881], %add3A_880 {strides = array<i32>} : memref<2048xf32, #tpu.memory_space<vmem>>, vector<16xf32>,
    %get3A_883 = arith.constant 96 : index
    %get3A_884 = tpu.vector_load %arg5[%get3A_883] {strides = array<i32>} : memref<2048xf32, #tpu.memory_space<vmem>>, vector<16xf32>,
    %get3A_885 = arith.constant 1504 : index
    %get3A_886 = tpu.vector_load %arg5[%get3A_885] {strides = array<i32>} : memref<2048xf32, #tpu.memory_space<vmem>>, vector<16xf32>,
    %add3A_887 = arith.addf %get3A_884, %get3A_886 : vector<16xf32>
    %swap3A_888 = arith.constant 96 : index
    %swap3A_889 = tpu.vector_load %arg5[%swap3A_888] {strides = array<i32>} : memref<2048xf32, #tpu.memory_space<vmem>>, vector<16xf32>,
    tpu.vector_store %arg5[%swap3A_888], %add3A_887 {strides = array<i32>} : memref<2048xf32, #tpu.memory_space<vmem>>, vector<16xf32>,
    %get3A_890 = arith.constant 112 : index
    %get3A_891 = tpu.vector_load %arg5[%get3A_890] {strides = array<i32>} : memref<2048xf32, #tpu.memory_space<vmem>>, vector<16xf32>,
    %get3A_892 = arith.constant 1520 : index
    %get3A_893 = tpu.vector_load %arg5[%get3A_892] {strides = array<i32>} : memref<2048xf32, #tpu.memory_space<vmem>>, vector<16xf32>,
    %add3A_894 = arith.addf %get3A_891, %get3A_893 : vector<16xf32>
    %swap3A_895 = arith.constant 112 : index
    %swap3A_896 = tpu.vector_load %arg5[%swap3A_895] {strides = array<i32>} : memref<2048xf32, #tpu.memory_space<vmem>>, vector<16xf32>,
    tpu.vector_store %arg5[%swap3A_895], %add3A_894 {strides = array<i32>} : memref<2048xf32, #tpu.memory_space<vmem>>, vector<16xf32>,
    %get3A_897 = arith.constant 0 : index
    %get3A_898 = tpu.vector_load %arg5[%get3A_897] {strides = array<i32>} : memref<2048xf32, #tpu.memory_space<vmem>>, vector<16xf32>,
    %get3A_899 = arith.constant 1536 : index
    %get3A_900 = tpu.vector_load %arg5[%get3A_899] {strides = array<i32>} : memref<2048xf32, #tpu.memory_space<vmem>>, vector<16xf32>,
    %add3A_901 = arith.addf %get3A_898, %get3A_900 : vector<16xf32>
    %swap3A_902 = arith.constant 0 : index
    %swap3A_903 = tpu.vector_load %arg5[%swap3A_902] {strides = array<i32>} : memref<2048xf32, #tpu.memory_space<vmem>>, vector<16xf32>,
    tpu.vector_store %arg5[%swap3A_902], %add3A_901 {strides = array<i32>} : memref<2048xf32, #tpu.memory_space<vmem>>, vector<16xf32>,
    %get3A_904 = arith.constant 16 : index
    %get3A_905 = tpu.vector_load %arg5[%get3A_904] {strides = array<i32>} : memref<2048xf32, #tpu.memory_space<vmem>>, vector<16xf32>,
    %get3A_906 = arith.constant 1552 : index
    %get3A_907 = tpu.vector_load %arg5[%get3A_906] {strides = array<i32>} : memref<2048xf32, #tpu.memory_space<vmem>>, vector<16xf32>,
    %add3A_908 = arith.addf %get3A_905, %get3A_907 : vector<16xf32>
    %swap3A_909 = arith.constant 16 : index
    %swap3A_910 = tpu.vector_load %arg5[%swap3A_909] {strides = array<i32>} : memref<2048xf32, #tpu.memory_space<vmem>>, vector<16xf32>,
    tpu.vector_store %arg5[%swap3A_909], %add3A_908 {strides = array<i32>} : memref<2048xf32, #tpu.memory_space<vmem>>, vector<16xf32>,
    %get3A_911 = arith.constant 32 : index
    %get3A_912 = tpu.vector_load %arg5[%get3A_911] {strides = array<i32>} : memref<2048xf32, #tpu.memory_space<vmem>>, vector<16xf32>,
    %get3A_913 = arith.constant 1568 : index
    %get3A_914 = tpu.vector_load %arg5[%get3A_913] {strides = array<i32>} : memref<2048xf32, #tpu.memory_space<vmem>>, vector<16xf32>,
    %add3A_915 = arith.addf %get3A_912, %get3A_914 : vector<16xf32>
    %swap3A_916 = arith.constant 32 : index
    %swap3A_917 = tpu.vector_load %arg5[%swap3A_916] {strides = array<i32>} : memref<2048xf32, #tpu.memory_space<vmem>>, vector<16xf32>,
    tpu.vector_store %arg5[%swap3A_916], %add3A_915 {strides = array<i32>} : memref<2048xf32, #tpu.memory_space<vmem>>, vector<16xf32>,
    %get3A_918 = arith.constant 48 : index
    %get3A_919 = tpu.vector_load %arg5[%get3A_918] {strides = array<i32>} : memref<2048xf32, #tpu.memory_space<vmem>>, vector<16xf32>,
    %get3A_920 = arith.constant 1584 : index
    %get3A_921 = tpu.vector_load %arg5[%get3A_920] {strides = array<i32>} : memref<2048xf32, #tpu.memory_space<vmem>>, vector<16xf32>,
    %add3A_922 = arith.addf %get3A_919, %get3A_921 : vector<16xf32>
    %swap3A_923 = arith.constant 48 : index
    %swap3A_924 = tpu.vector_load %arg5[%swap3A_923] {strides = array<i32>} : memref<2048xf32, #tpu.memory_space<vmem>>, vector<16xf32>,
    tpu.vector_store %arg5[%swap3A_923], %add3A_922 {strides = array<i32>} : memref<2048xf32, #tpu.memory_space<vmem>>, vector<16xf32>,
    %get3A_925 = arith.constant 64 : index
    %get3A_926 = tpu.vector_load %arg5[%get3A_925] {strides = array<i32>} : memref<2048xf32, #tpu.memory_space<vmem>>, vector<16xf32>,
    %get3A_927 = arith.constant 1600 : index
    %get3A_928 = tpu.vector_load %arg5[%get3A_927] {strides = array<i32>} : memref<2048xf32, #tpu.memory_space<vmem>>, vector<16xf32>,
    %add3A_929 = arith.addf %get3A_926, %get3A_928 : vector<16xf32>
    %swap3A_930 = arith.constant 64 : index
    %swap3A_931 = tpu.vector_load %arg5[%swap3A_930] {strides = array<i32>} : memref<2048xf32, #tpu.memory_space<vmem>>, vector<16xf32>,
    tpu.vector_store %arg5[%swap3A_930], %add3A_929 {strides = array<i32>} : memref<2048xf32, #tpu.memory_space<vmem>>, vector<16xf32>,
    %get3A_932 = arith.constant 80 : index
    %get3A_933 = tpu.vector_load %arg5[%get3A_932] {strides = array<i32>} : memref<2048xf32, #tpu.memory_space<vmem>>, vector<16xf32>,
    %get3A_934 = arith.constant 1616 : index
    %get3A_935 = tpu.vector_load %arg5[%get3A_934] {strides = array<i32>} : memref<2048xf32, #tpu.memory_space<vmem>>, vector<16xf32>,
    %add3A_936 = arith.addf %get3A_933, %get3A_935 : vector<16xf32>
    %swap3A_937 = arith.constant 80 : index
    %swap3A_938 = tpu.vector_load %arg5[%swap3A_937] {strides = array<i32>} : memref<2048xf32, #tpu.memory_space<vmem>>, vector<16xf32>,
    tpu.vector_store %arg5[%swap3A_937], %add3A_936 {strides = array<i32>} : memref<2048xf32, #tpu.memory_space<vmem>>, vector<16xf32>,
    %get3A_939 = arith.constant 96 : index
    %get3A_940 = tpu.vector_load %arg5[%get3A_939] {strides = array<i32>} : memref<2048xf32, #tpu.memory_space<vmem>>, vector<16xf32>,
    %get3A_941 = arith.constant 1632 : index
    %get3A_942 = tpu.vector_load %arg5[%get3A_941] {strides = array<i32>} : memref<2048xf32, #tpu.memory_space<vmem>>, vector<16xf32>,
    %add3A_943 = arith.addf %get3A_940, %get3A_942 : vector<16xf32>
    %swap3A_944 = arith.constant 96 : index
    %swap3A_945 = tpu.vector_load %arg5[%swap3A_944] {strides = array<i32>} : memref<2048xf32, #tpu.memory_space<vmem>>, vector<16xf32>,
    tpu.vector_store %arg5[%swap3A_944], %add3A_943 {strides = array<i32>} : memref<2048xf32, #tpu.memory_space<vmem>>, vector<16xf32>,
    %get3A_946 = arith.constant 112 : index
    %get3A_947 = tpu.vector_load %arg5[%get3A_946] {strides = array<i32>} : memref<2048xf32, #tpu.memory_space<vmem>>, vector<16xf32>,
    %get3A_948 = arith.constant 1648 : index
    %get3A_949 = tpu.vector_load %arg5[%get3A_948] {strides = array<i32>} : memref<2048xf32, #tpu.memory_space<vmem>>, vector<16xf32>,
    %add3A_950 = arith.addf %get3A_947, %get3A_949 : vector<16xf32>
    %swap3A_951 = arith.constant 112 : index
    %swap3A_952 = tpu.vector_load %arg5[%swap3A_951] {strides = array<i32>} : memref<2048xf32, #tpu.memory_space<vmem>>, vector<16xf32>,
    tpu.vector_store %arg5[%swap3A_951], %add3A_950 {strides = array<i32>} : memref<2048xf32, #tpu.memory_space<vmem>>, vector<16xf32>,
    %get3A_953 = arith.constant 0 : index
    %get3A_954 = tpu.vector_load %arg5[%get3A_953] {strides = array<i32>} : memref<2048xf32, #tpu.memory_space<vmem>>, vector<16xf32>,
    %get3A_955 = arith.constant 1664 : index
    %get3A_956 = tpu.vector_load %arg5[%get3A_955] {strides = array<i32>} : memref<2048xf32, #tpu.memory_space<vmem>>, vector<16xf32>,
    %add3A_957 = arith.addf %get3A_954, %get3A_956 : vector<16xf32>
    %swap3A_958 = arith.constant 0 : index
    %swap3A_959 = tpu.vector_load %arg5[%swap3A_958] {strides = array<i32>} : memref<2048xf32, #tpu.memory_space<vmem>>, vector<16xf32>,
    tpu.vector_store %arg5[%swap3A_958], %add3A_957 {strides = array<i32>} : memref<2048xf32, #tpu.memory_space<vmem>>, vector<16xf32>,
    %get3A_960 = arith.constant 16 : index
    %get3A_961 = tpu.vector_load %arg5[%get3A_960] {strides = array<i32>} : memref<2048xf32, #tpu.memory_space<vmem>>, vector<16xf32>,
    %get3A_962 = arith.constant 1680 : index
    %get3A_963 = tpu.vector_load %arg5[%get3A_962] {strides = array<i32>} : memref<2048xf32, #tpu.memory_space<vmem>>, vector<16xf32>,
    %add3A_964 = arith.addf %get3A_961, %get3A_963 : vector<16xf32>
    %swap3A_965 = arith.constant 16 : index
    %swap3A_966 = tpu.vector_load %arg5[%swap3A_965] {strides = array<i32>} : memref<2048xf32, #tpu.memory_space<vmem>>, vector<16xf32>,
    tpu.vector_store %arg5[%swap3A_965], %add3A_964 {strides = array<i32>} : memref<2048xf32, #tpu.memory_space<vmem>>, vector<16xf32>,
    %get3A_967 = arith.constant 32 : index
    %get3A_968 = tpu.vector_load %arg5[%get3A_967] {strides = array<i32>} : memref<2048xf32, #tpu.memory_space<vmem>>, vector<16xf32>,
    %get3A_969 = arith.constant 1696 : index
    %get3A_970 = tpu.vector_load %arg5[%get3A_969] {strides = array<i32>} : memref<2048xf32, #tpu.memory_space<vmem>>, vector<16xf32>,
    %add3A_971 = arith.addf %get3A_968, %get3A_970 : vector<16xf32>
    %swap3A_972 = arith.constant 32 : index
    %swap3A_973 = tpu.vector_load %arg5[%swap3A_972] {strides = array<i32>} : memref<2048xf32, #tpu.memory_space<vmem>>, vector<16xf32>,
    tpu.vector_store %arg5[%swap3A_972], %add3A_971 {strides = array<i32>} : memref<2048xf32, #tpu.memory_space<vmem>>, vector<16xf32>,
    %get3A_974 = arith.constant 48 : index
    %get3A_975 = tpu.vector_load %arg5[%get3A_974] {strides = array<i32>} : memref<2048xf32, #tpu.memory_space<vmem>>, vector<16xf32>,
    %get3A_976 = arith.constant 1712 : index
    %get3A_977 = tpu.vector_load %arg5[%get3A_976] {strides = array<i32>} : memref<2048xf32, #tpu.memory_space<vmem>>, vector<16xf32>,
    %add3A_978 = arith.addf %get3A_975, %get3A_977 : vector<16xf32>
    %swap3A_979 = arith.constant 48 : index
    %swap3A_980 = tpu.vector_load %arg5[%swap3A_979] {strides = array<i32>} : memref<2048xf32, #tpu.memory_space<vmem>>, vector<16xf32>,
    tpu.vector_store %arg5[%swap3A_979], %add3A_978 {strides = array<i32>} : memref<2048xf32, #tpu.memory_space<vmem>>, vector<16xf32>,
    %get3A_981 = arith.constant 64 : index
    %get3A_982 = tpu.vector_load %arg5[%get3A_981] {strides = array<i32>} : memref<2048xf32, #tpu.memory_space<vmem>>, vector<16xf32>,
    %get3A_983 = arith.constant 1728 : index
    %get3A_984 = tpu.vector_load %arg5[%get3A_983] {strides = array<i32>} : memref<2048xf32, #tpu.memory_space<vmem>>, vector<16xf32>,
    %add3A_985 = arith.addf %get3A_982, %get3A_984 : vector<16xf32>
    %swap3A_986 = arith.constant 64 : index
    %swap3A_987 = tpu.vector_load %arg5[%swap3A_986] {strides = array<i32>} : memref<2048xf32, #tpu.memory_space<vmem>>, vector<16xf32>,
    tpu.vector_store %arg5[%swap3A_986], %add3A_985 {strides = array<i32>} : memref<2048xf32, #tpu.memory_space<vmem>>, vector<16xf32>,
    %get3A_988 = arith.constant 80 : index
    %get3A_989 = tpu.vector_load %arg5[%get3A_988] {strides = array<i32>} : memref<2048xf32, #tpu.memory_space<vmem>>, vector<16xf32>,
    %get3A_990 = arith.constant 1744 : index
    %get3A_991 = tpu.vector_load %arg5[%get3A_990] {strides = array<i32>} : memref<2048xf32, #tpu.memory_space<vmem>>, vector<16xf32>,
    %add3A_992 = arith.addf %get3A_989, %get3A_991 : vector<16xf32>
    %swap3A_993 = arith.constant 80 : index
    %swap3A_994 = tpu.vector_load %arg5[%swap3A_993] {strides = array<i32>} : memref<2048xf32, #tpu.memory_space<vmem>>, vector<16xf32>,
    tpu.vector_store %arg5[%swap3A_993], %add3A_992 {strides = array<i32>} : memref<2048xf32, #tpu.memory_space<vmem>>, vector<16xf32>,
    %get3A_995 = arith.constant 96 : index
    %get3A_996 = tpu.vector_load %arg5[%get3A_995] {strides = array<i32>} : memref<2048xf32, #tpu.memory_space<vmem>>, vector<16xf32>,
    %get3A_997 = arith.constant 1760 : index
    %get3A_998 = tpu.vector_load %arg5[%get3A_997] {strides = array<i32>} : memref<2048xf32, #tpu.memory_space<vmem>>, vector<16xf32>,
    %add3A_999 = arith.addf %get3A_996, %get3A_998 : vector<16xf32>
    %swap3A_1000 = arith.constant 96 : index
    %swap3A_1001 = tpu.vector_load %arg5[%swap3A_1000] {strides = array<i32>} : memref<2048xf32, #tpu.memory_space<vmem>>, vector<16xf32>,
    tpu.vector_store %arg5[%swap3A_1000], %add3A_999 {strides = array<i32>} : memref<2048xf32, #tpu.memory_space<vmem>>, vector<16xf32>,
    %get3A_1002 = arith.constant 112 : index
    %get3A_1003 = tpu.vector_load %arg5[%get3A_1002] {strides = array<i32>} : memref<2048xf32, #tpu.memory_space<vmem>>, vector<16xf32>,
    %get3A_1004 = arith.constant 1776 : index
    %get3A_1005 = tpu.vector_load %arg5[%get3A_1004] {strides = array<i32>} : memref<2048xf32, #tpu.memory_space<vmem>>, vector<16xf32>,
    %add3A_1006 = arith.addf %get3A_1003, %get3A_1005 : vector<16xf32>
    %swap3A_1007 = arith.constant 112 : index
    %swap3A_1008 = tpu.vector_load %arg5[%swap3A_1007] {strides = array<i32>} : memref<2048xf32, #tpu.memory_space<vmem>>, vector<16xf32>,
    tpu.vector_store %arg5[%swap3A_1007], %add3A_1006 {strides = array<i32>} : memref<2048xf32, #tpu.memory_space<vmem>>, vector<16xf32>,
    %get3A_1009 = arith.constant 0 : index
    %get3A_1010 = tpu.vector_load %arg5[%get3A_1009] {strides = array<i32>} : memref<2048xf32, #tpu.memory_space<vmem>>, vector<16xf32>,
    %get3A_1011 = arith.constant 1792 : index
    %get3A_1012 = tpu.vector_load %arg5[%get3A_1011] {strides = array<i32>} : memref<2048xf32, #tpu.memory_space<vmem>>, vector<16xf32>,
    %add3A_1013 = arith.addf %get3A_1010, %get3A_1012 : vector<16xf32>
    %swap3A_1014 = arith.constant 0 : index
    %swap3A_1015 = tpu.vector_load %arg5[%swap3A_1014] {strides = array<i32>} : memref<2048xf32, #tpu.memory_space<vmem>>, vector<16xf32>,
    tpu.vector_store %arg5[%swap3A_1014], %add3A_1013 {strides = array<i32>} : memref<2048xf32, #tpu.memory_space<vmem>>, vector<16xf32>,
    %get3A_1016 = arith.constant 16 : index
    %get3A_1017 = tpu.vector_load %arg5[%get3A_1016] {strides = array<i32>} : memref<2048xf32, #tpu.memory_space<vmem>>, vector<16xf32>,
    %get3A_1018 = arith.constant 1808 : index
    %get3A_1019 = tpu.vector_load %arg5[%get3A_1018] {strides = array<i32>} : memref<2048xf32, #tpu.memory_space<vmem>>, vector<16xf32>,
    %add3A_1020 = arith.addf %get3A_1017, %get3A_1019 : vector<16xf32>
    %swap3A_1021 = arith.constant 16 : index
    %swap3A_1022 = tpu.vector_load %arg5[%swap3A_1021] {strides = array<i32>} : memref<2048xf32, #tpu.memory_space<vmem>>, vector<16xf32>,
    tpu.vector_store %arg5[%swap3A_1021], %add3A_1020 {strides = array<i32>} : memref<2048xf32, #tpu.memory_space<vmem>>, vector<16xf32>,
    %get3A_1023 = arith.constant 32 : index
    %get3A_1024 = tpu.vector_load %arg5[%get3A_1023] {strides = array<i32>} : memref<2048xf32, #tpu.memory_space<vmem>>, vector<16xf32>,
    %get3A_1025 = arith.constant 1824 : index
    %get3A_1026 = tpu.vector_load %arg5[%get3A_1025] {strides = array<i32>} : memref<2048xf32, #tpu.memory_space<vmem>>, vector<16xf32>,
    %add3A_1027 = arith.addf %get3A_1024, %get3A_1026 : vector<16xf32>
    %swap3A_1028 = arith.constant 32 : index
    %swap3A_1029 = tpu.vector_load %arg5[%swap3A_1028] {strides = array<i32>} : memref<2048xf32, #tpu.memory_space<vmem>>, vector<16xf32>,
    tpu.vector_store %arg5[%swap3A_1028], %add3A_1027 {strides = array<i32>} : memref<2048xf32, #tpu.memory_space<vmem>>, vector<16xf32>,
    %get3A_1030 = arith.constant 48 : index
    %get3A_1031 = tpu.vector_load %arg5[%get3A_1030] {strides = array<i32>} : memref<2048xf32, #tpu.memory_space<vmem>>, vector<16xf32>,
    %get3A_1032 = arith.constant 1840 : index
    %get3A_1033 = tpu.vector_load %arg5[%get3A_1032] {strides = array<i32>} : memref<2048xf32, #tpu.memory_space<vmem>>, vector<16xf32>,
    %add3A_1034 = arith.addf %get3A_1031, %get3A_1033 : vector<16xf32>
    %swap3A_1035 = arith.constant 48 : index
    %swap3A_1036 = tpu.vector_load %arg5[%swap3A_1035] {strides = array<i32>} : memref<2048xf32, #tpu.memory_space<vmem>>, vector<16xf32>,
    tpu.vector_store %arg5[%swap3A_1035], %add3A_1034 {strides = array<i32>} : memref<2048xf32, #tpu.memory_space<vmem>>, vector<16xf32>,
    %get3A_1037 = arith.constant 64 : index
    %get3A_1038 = tpu.vector_load %arg5[%get3A_1037] {strides = array<i32>} : memref<2048xf32, #tpu.memory_space<vmem>>, vector<16xf32>,
    %get3A_1039 = arith.constant 1856 : index
    %get3A_1040 = tpu.vector_load %arg5[%get3A_1039] {strides = array<i32>} : memref<2048xf32, #tpu.memory_space<vmem>>, vector<16xf32>,
    %add3A_1041 = arith.addf %get3A_1038, %get3A_1040 : vector<16xf32>
    %swap3A_1042 = arith.constant 64 : index
    %swap3A_1043 = tpu.vector_load %arg5[%swap3A_1042] {strides = array<i32>} : memref<2048xf32, #tpu.memory_space<vmem>>, vector<16xf32>,
    tpu.vector_store %arg5[%swap3A_1042], %add3A_1041 {strides = array<i32>} : memref<2048xf32, #tpu.memory_space<vmem>>, vector<16xf32>,
    %get3A_1044 = arith.constant 80 : index
    %get3A_1045 = tpu.vector_load %arg5[%get3A_1044] {strides = array<i32>} : memref<2048xf32, #tpu.memory_space<vmem>>, vector<16xf32>,
    %get3A_1046 = arith.constant 1872 : index
    %get3A_1047 = tpu.vector_load %arg5[%get3A_1046] {strides = array<i32>} : memref<2048xf32, #tpu.memory_space<vmem>>, vector<16xf32>,
    %add3A_1048 = arith.addf %get3A_1045, %get3A_1047 : vector<16xf32>
    %swap3A_1049 = arith.constant 80 : index
    %swap3A_1050 = tpu.vector_load %arg5[%swap3A_1049] {strides = array<i32>} : memref<2048xf32, #tpu.memory_space<vmem>>, vector<16xf32>,
    tpu.vector_store %arg5[%swap3A_1049], %add3A_1048 {strides = array<i32>} : memref<2048xf32, #tpu.memory_space<vmem>>, vector<16xf32>,
    %get3A_1051 = arith.constant 96 : index
    %get3A_1052 = tpu.vector_load %arg5[%get3A_1051] {strides = array<i32>} : memref<2048xf32, #tpu.memory_space<vmem>>, vector<16xf32>,
    %get3A_1053 = arith.constant 1888 : index
    %get3A_1054 = tpu.vector_load %arg5[%get3A_1053] {strides = array<i32>} : memref<2048xf32, #tpu.memory_space<vmem>>, vector<16xf32>,
    %add3A_1055 = arith.addf %get3A_1052, %get3A_1054 : vector<16xf32>
    %swap3A_1056 = arith.constant 96 : index
    %swap3A_1057 = tpu.vector_load %arg5[%swap3A_1056] {strides = array<i32>} : memref<2048xf32, #tpu.memory_space<vmem>>, vector<16xf32>,
    tpu.vector_store %arg5[%swap3A_1056], %add3A_1055 {strides = array<i32>} : memref<2048xf32, #tpu.memory_space<vmem>>, vector<16xf32>,
    %get3A_1058 = arith.constant 112 : index
    %get3A_1059 = tpu.vector_load %arg5[%get3A_1058] {strides = array<i32>} : memref<2048xf32, #tpu.memory_space<vmem>>, vector<16xf32>,
    %get3A_1060 = arith.constant 1904 : index
    %get3A_1061 = tpu.vector_load %arg5[%get3A_1060] {strides = array<i32>} : memref<2048xf32, #tpu.memory_space<vmem>>, vector<16xf32>,
    %add3A_1062 = arith.addf %get3A_1059, %get3A_1061 : vector<16xf32>
    %swap3A_1063 = arith.constant 112 : index
    %swap3A_1064 = tpu.vector_load %arg5[%swap3A_1063] {strides = array<i32>} : memref<2048xf32, #tpu.memory_space<vmem>>, vector<16xf32>,
    tpu.vector_store %arg5[%swap3A_1063], %add3A_1062 {strides = array<i32>} : memref<2048xf32, #tpu.memory_space<vmem>>, vector<16xf32>,
    %get3A_1065 = arith.constant 0 : index
    %get3A_1066 = tpu.vector_load %arg5[%get3A_1065] {strides = array<i32>} : memref<2048xf32, #tpu.memory_space<vmem>>, vector<16xf32>,
    %get3A_1067 = arith.constant 1920 : index
    %get3A_1068 = tpu.vector_load %arg5[%get3A_1067] {strides = array<i32>} : memref<2048xf32, #tpu.memory_space<vmem>>, vector<16xf32>,
    %add3A_1069 = arith.addf %get3A_1066, %get3A_1068 : vector<16xf32>
    %swap3A_1070 = arith.constant 0 : index
    %swap3A_1071 = tpu.vector_load %arg5[%swap3A_1070] {strides = array<i32>} : memref<2048xf32, #tpu.memory_space<vmem>>, vector<16xf32>,
    tpu.vector_store %arg5[%swap3A_1070], %add3A_1069 {strides = array<i32>} : memref<2048xf32, #tpu.memory_space<vmem>>, vector<16xf32>,
    %get3A_1072 = arith.constant 16 : index
    %get3A_1073 = tpu.vector_load %arg5[%get3A_1072] {strides = array<i32>} : memref<2048xf32, #tpu.memory_space<vmem>>, vector<16xf32>,
    %get3A_1074 = arith.constant 1936 : index
    %get3A_1075 = tpu.vector_load %arg5[%get3A_1074] {strides = array<i32>} : memref<2048xf32, #tpu.memory_space<vmem>>, vector<16xf32>,
    %add3A_1076 = arith.addf %get3A_1073, %get3A_1075 : vector<16xf32>
    %swap3A_1077 = arith.constant 16 : index
    %swap3A_1078 = tpu.vector_load %arg5[%swap3A_1077] {strides = array<i32>} : memref<2048xf32, #tpu.memory_space<vmem>>, vector<16xf32>,
    tpu.vector_store %arg5[%swap3A_1077], %add3A_1076 {strides = array<i32>} : memref<2048xf32, #tpu.memory_space<vmem>>, vector<16xf32>,
    %get3A_1079 = arith.constant 32 : index
    %get3A_1080 = tpu.vector_load %arg5[%get3A_1079] {strides = array<i32>} : memref<2048xf32, #tpu.memory_space<vmem>>, vector<16xf32>,
    %get3A_1081 = arith.constant 1952 : index
    %get3A_1082 = tpu.vector_load %arg5[%get3A_1081] {strides = array<i32>} : memref<2048xf32, #tpu.memory_space<vmem>>, vector<16xf32>,
    %add3A_1083 = arith.addf %get3A_1080, %get3A_1082 : vector<16xf32>
    %swap3A_1084 = arith.constant 32 : index
    %swap3A_1085 = tpu.vector_load %arg5[%swap3A_1084] {strides = array<i32>} : memref<2048xf32, #tpu.memory_space<vmem>>, vector<16xf32>,
    tpu.vector_store %arg5[%swap3A_1084], %add3A_1083 {strides = array<i32>} : memref<2048xf32, #tpu.memory_space<vmem>>, vector<16xf32>,
    %get3A_1086 = arith.constant 48 : index
    %get3A_1087 = tpu.vector_load %arg5[%get3A_1086] {strides = array<i32>} : memref<2048xf32, #tpu.memory_space<vmem>>, vector<16xf32>,
    %get3A_1088 = arith.constant 1968 : index
    %get3A_1089 = tpu.vector_load %arg5[%get3A_1088] {strides = array<i32>} : memref<2048xf32, #tpu.memory_space<vmem>>, vector<16xf32>,
    %add3A_1090 = arith.addf %get3A_1087, %get3A_1089 : vector<16xf32>
    %swap3A_1091 = arith.constant 48 : index
    %swap3A_1092 = tpu.vector_load %arg5[%swap3A_1091] {strides = array<i32>} : memref<2048xf32, #tpu.memory_space<vmem>>, vector<16xf32>,
    tpu.vector_store %arg5[%swap3A_1091], %add3A_1090 {strides = array<i32>} : memref<2048xf32, #tpu.memory_space<vmem>>, vector<16xf32>,
    %get3A_1093 = arith.constant 64 : index
    %get3A_1094 = tpu.vector_load %arg5[%get3A_1093] {strides = array<i32>} : memref<2048xf32, #tpu.memory_space<vmem>>, vector<16xf32>,
    %get3A_1095 = arith.constant 1984 : index
    %get3A_1096 = tpu.vector_load %arg5[%get3A_1095] {strides = array<i32>} : memref<2048xf32, #tpu.memory_space<vmem>>, vector<16xf32>,
    %add3A_1097 = arith.addf %get3A_1094, %get3A_1096 : vector<16xf32>
    %swap3A_1098 = arith.constant 64 : index
    %swap3A_1099 = tpu.vector_load %arg5[%swap3A_1098] {strides = array<i32>} : memref<2048xf32, #tpu.memory_space<vmem>>, vector<16xf32>,
    tpu.vector_store %arg5[%swap3A_1098], %add3A_1097 {strides = array<i32>} : memref<2048xf32, #tpu.memory_space<vmem>>, vector<16xf32>,
    %get3A_1100 = arith.constant 80 : index
    %get3A_1101 = tpu.vector_load %arg5[%get3A_1100] {strides = array<i32>} : memref<2048xf32, #tpu.memory_space<vmem>>, vector<16xf32>,
    %get3A_1102 = arith.constant 2000 : index
    %get3A_1103 = tpu.vector_load %arg5[%get3A_1102] {strides = array<i32>} : memref<2048xf32, #tpu.memory_space<vmem>>, vector<16xf32>,
    %add3A_1104 = arith.addf %get3A_1101, %get3A_1103 : vector<16xf32>
    %swap3A_1105 = arith.constant 80 : index
    %swap3A_1106 = tpu.vector_load %arg5[%swap3A_1105] {strides = array<i32>} : memref<2048xf32, #tpu.memory_space<vmem>>, vector<16xf32>,
    tpu.vector_store %arg5[%swap3A_1105], %add3A_1104 {strides = array<i32>} : memref<2048xf32, #tpu.memory_space<vmem>>, vector<16xf32>,
    %get3A_1107 = arith.constant 96 : index
    %get3A_1108 = tpu.vector_load %arg5[%get3A_1107] {strides = array<i32>} : memref<2048xf32, #tpu.memory_space<vmem>>, vector<16xf32>,
    %get3A_1109 = arith.constant 2016 : index
    %get3A_1110 = tpu.vector_load %arg5[%get3A_1109] {strides = array<i32>} : memref<2048xf32, #tpu.memory_space<vmem>>, vector<16xf32>,
    %add3A_1111 = arith.addf %get3A_1108, %get3A_1110 : vector<16xf32>
    %swap3A_1112 = arith.constant 96 : index
    %swap3A_1113 = tpu.vector_load %arg5[%swap3A_1112] {strides = array<i32>} : memref<2048xf32, #tpu.memory_space<vmem>>, vector<16xf32>,
    tpu.vector_store %arg5[%swap3A_1112], %add3A_1111 {strides = array<i32>} : memref<2048xf32, #tpu.memory_space<vmem>>, vector<16xf32>,
    %get3A_1114 = arith.constant 112 : index
    %get3A_1115 = tpu.vector_load %arg5[%get3A_1114] {strides = array<i32>} : memref<2048xf32, #tpu.memory_space<vmem>>, vector<16xf32>,
    %get3A_1116 = arith.constant 2032 : index
    %get3A_1117 = tpu.vector_load %arg5[%get3A_1116] {strides = array<i32>} : memref<2048xf32, #tpu.memory_space<vmem>>, vector<16xf32>,
    %add3A_1118 = arith.addf %get3A_1115, %get3A_1117 : vector<16xf32>
    %swap3A_1119 = arith.constant 112 : index
    %swap3A_1120 = tpu.vector_load %arg5[%swap3A_1119] {strides = array<i32>} : memref<2048xf32, #tpu.memory_space<vmem>>, vector<16xf32>,
    tpu.vector_store %arg5[%swap3A_1119], %add3A_1118 {strides = array<i32>} : memref<2048xf32, #tpu.memory_space<vmem>>, vector<16xf32>,
    %mul3A_1121 = arith.constant 128 : i32
    %mul3A_1122 = arith.muli %add3A, %mul3A_1121 : i32
    "tpu.region"() ({
      %run_scoped3A = tpu.sem_alloc : memref<!tpu.dma_semaphore, #tpu.memory_space<semaphore_mem>>
      %dma_start3A = arith.constant 0 : i32
      %dma_start3A_1123 = tpu.memref_slice %arg5[%dma_start3A] : memref<2048xf32, #tpu.memory_space<vmem>> -> memref<128xf32, #tpu.memory_space<vmem>>
      %dma_start3A_1124 = tpu.memref_slice %arg3[%mul3A_1122] : memref<4096xf32, #tpu.memory_space<hbm>> -> memref<128xf32, #tpu.memory_space<hbm>>
      %dma_start3A_1125 = tpu.memref_slice %arg3[%mul3A_1122] : memref<4096xf32, #tpu.memory_space<hbm>> -> memref<128xf32, #tpu.memory_space<hbm>>
      %dma_start3A_1126 = arith.constant 0 : i32
      %dma_start3A_1127 = tpu.memref_slice %arg5[%dma_start3A_1126] : memref<2048xf32, #tpu.memory_space<vmem>> -> memref<128xf32, #tpu.memory_space<vmem>>
      tpu.enqueue_dma source(%dma_start3A_1127 : memref<128xf32, #tpu.memory_space<vmem>>) target(%dma_start3A_1125 : memref<128xf32, #tpu.memory_space<hbm>>) target_semaphore(%run_scoped3A : memref<!tpu.dma_semaphore, #tpu.memory_space<semaphore_mem>>)
      %dma_wait3A = arith.constant 0 : i32
      %dma_wait3A_1128 = tpu.memref_slice %arg5[%dma_wait3A] : memref<2048xf32, #tpu.memory_space<vmem>> -> memref<128xf32, #tpu.memory_space<vmem>>
      %dma_wait3A_1129 = tpu.memref_slice %arg3[%mul3A_1122] : memref<4096xf32, #tpu.memory_space<hbm>> -> memref<128xf32, #tpu.memory_space<hbm>>
      %dma_wait3A_1130 = tpu.memref_slice %arg3[%mul3A_1122] : memref<4096xf32, #tpu.memory_space<hbm>> -> memref<128xf32, #tpu.memory_space<hbm>>
      %dma_wait3A_1131 = arith.constant 0 : i32
      %dma_wait3A_1132 = tpu.memref_slice %arg5[%dma_wait3A_1131] : memref<2048xf32, #tpu.memory_space<vmem>> -> memref<128xf32, #tpu.memory_space<vmem>>
      tpu.wait_dma2 semaphore(%run_scoped3A : memref<!tpu.dma_semaphore, #tpu.memory_space<semaphore_mem>>) src(%dma_wait3A_1132 : memref<128xf32, #tpu.memory_space<vmem>>) dst(%dma_wait3A_1130 : memref<128xf32, #tpu.memory_space<hbm>>)
      tpu.yield
    }) : () -> ()
    return
  }
}

</mosaic_0001>

<sc_bundles>
// kernel: _sc_count.3.cloned.1.call-start
scs
__scs_entry_jumppad:
0x0: {  	(pc) =	sbr.rel $0x88, $3  }
0x1: {  	(tag) =	ssettag $0x0;
	lr =	simm.s32 $0x1  }
0x2: {  	[smem:$0x3FA0] =	sst lr;
	_ =	strace $0xD0000000  }
0x3: {  	_ = 	snop  }
0x4: {  	_ = 	snop  }
0x5: {  	_ = 	snop  }
0x6: {  	_ = 	snop  }
0x7: {  	_ = 	snop  }
__scs_overlays_trampoline_lowered:
0x8: {  	[smem:$0x3FAF] =	sst s0  }
0x9: {  	[smem:$0x3FB0] =	sst s1  }
0xa: {  	[smem:$0x3FB1] =	sst s2  }
0xb: {  	[smem:$0x3FB2] =	sst s3  }
0xc: {  	[smem:$0x3FB3] =	sst s4  }
0xd: {  	[smem:$0x3FB4] =	sst s5  }
0xe: {  	[smem:$0x3FB5] =	sst s6  }
0xf: {  	[smem:$0x3FB6] =	sst s7  }
0x10: {  	[smem:$0x3FB7] =	sst s8  }
0x11: {  	[smem:$0x3FB8] =	sst s9;
	s0 =	simm.s32 @!p0 $0x0  }
0x12: {  	s1 =	sld [smem:$0x3F9E];
	s0 =	simm.s32 @p0 $0x1  }
0x13: {  	[smem:$0x3FB9] =	sst s0;
	s0 =	simm.s32 @!p1 $0x0  }
0x14: {  	s2 =	sld [smem:$0x3F9D];
	s0 =	simm.s32 @p1 $0x1  }
0x15: {  	[smem:$0x3FBA] =	sst s0;
	s0 =	simm.s32 @!p2 $0x0  }
0x16: {  	s3 =	sld [smem:$0x3FDB];
	s0 =	simm.s32 @p2 $0x1  }
0x17: {  	s4 =	simm.s32 $0x1BF5;
	[smem:$0x3FBC] =	sst s0  }
0x18: {  	s0 =	sld [smem:$0x3F9F];
	_ =	swait.ge [sflag:s4], $0x0  }
0x19: {  	s7 =	sld [smem:$0x3FA0]  }
0x1a: {  	s8 =	sadd.s32 $0xFFFFE003, lr  }
0x1b: {  	s9 =	sadd.s32 $0xFFFFFEF7, lr;
	s5 =	simm.s32 $0xFFFFFFFF;
	p2 =	slt.u32 s8, $0xFFFFF086  }
0x1c: {  	p1 =	slt.u32 s9, $0xF7A;
	s5 =	simm.s32 @!p2 $0x0  }
0x1d: {  	s5 =	simm.s32 @p1 $0x1;
	p0 =	seq.s32 s7, s2  }
0x1e: {  	s7 =	smul.u32 @!p0 $0xF7A, s2;
	p2 =	seq.s32 @!p0 s5, $0x0  }
0x1f: {  	s9 =	smul.u32 $0xF7A, s1;
	s8 =	simm.s32 @!p0 $0x1BF5;
	p2 =	por !p2, p0  }
0x20: {  	[sflag:s8] =	ssyncset.s32 @!p0 $0xFFFFF086;
	s6 =	sadd.s32 @!p0 s3, s7;
	s7 =	simm.s32 @!p0 $0x108  }
0x21: {  	s3 =	sadd.s32 s3, s9;
	s6 =	sadd.s32 @!p0 $0x88, s6;
	s7 =	simm.s32 @p2 $0x1082  }
0x22: {  	[simem:s7], [sflag:s8] =	dma.local @!p0 [hbm:s6], $0xF7A  }
0x23: {  	s9 =	sor.u32 $0xD0000000, s2;
	s6 =	simm.s32 $0x108;
	_ =	swait.ge @!p0 [sflag:s8], $0x0  }
0x24: {  	s3 =	sadd.s32 $0x88, s3;
	s6 =	simm.s32 @!p1 $0x1082;
	[sflag:s4] =	ssyncset.s32 $0xFFFFF086  }
0x25: {  	[simem:s6], [sflag:s4] =	dma.local [hbm:s3], $0xF7A  }
0x26: {  	[smem:$0x3FA0] =	sst s1;
	(tag) =	ssettag s2;
	_ =	strace s9  }
0x27: {  	s1 =	sld [smem:$0x3FB0]  }
0x28: {  	s2 =	sld [smem:$0x3FB1]  }
0x29: {  	s4 =	sld [smem:$0x3FB3]  }
0x2a: {  	p0 =	seq.s32 s5, $0x0;
	s5 =	sld [smem:$0x3FB4]  }
0x2b: {  	s6 =	sld [smem:$0x3FB5]  }
0x2c: {  	s7 =	sld [smem:$0x3FB6]  }
0x2d: {  	s3 =	simm.s32 $0x108;
	s8 =	sld [smem:$0x3FB7]  }
0x2e: {  	s3 =	simm.s32 @!p0 $0x1082;
	s9 =	sld [smem:$0x3FB8]  }
0x2f: {  	lr =	sadd.s32 s0, s3;
	s0 =	sld [smem:$0x3FAF]  }
0x30: {  	s3 =	sld [smem:$0x3FB2]  }
0x31: {  	[smem:$0x3FBB] =	sst s10  }
0x32: {  	s10 =	sld [smem:$0x3FB9];
	_ =	sdelay $0x3  }
0x33: {  	p0 =	seq.s32 s10, $0x1;
	s10 =	sld [smem:$0x3FBB];
	_ =	sdelay $0x3  }
0x34: {  	[smem:$0x3FBB] =	sst s10  }
0x35: {  	s10 =	sld [smem:$0x3FBA];
	_ =	sdelay $0x3  }
0x36: {  	p1 =	seq.s32 s10, $0x1;
	s10 =	sld [smem:$0x3FBB];
	_ =	sdelay $0x3  }
0x37: {  	[smem:$0x3FBB] =	sst s10  }
0x38: {  	s10 =	sld [smem:$0x3FBC]  }
0x39: {  	_ = 	snop;
	(pc) =	sbr.ind lr, $3  }
0x3a: {  	_ = 	snop  }
0x3b: {  	_ = 	snop  }
0x3c: {  	p2 =	seq.s32 s10, $0x1;
	s10 =	sld [smem:$0x3FBB]  }
0x3d: {  	_ =	shalt  }
0x3e: {  	_ =	shalt  }
0x3f: {  	_ =	shalt  }
0x40: {  	_ =	shalt  }
0x41: {  	_ =	shalt  }
0x42: {  	_ =	shalt  }
0x43: {  	_ =	shalt  }
0x44: {  	_ =	shalt  }
0x45: {  	_ =	shalt  }
0x46: {  	_ =	shalt  }
0x47: {  	_ =	shalt  }
0x48: {  	_ =	shalt  }
0x49: {  	_ =	shalt  }
0x4a: {  	_ =	shalt  }
0x4b: {  	_ =	shalt  }
0x4c: {  	_ =	shalt  }
0x4d: {  	_ =	shalt  }
0x4e: {  	_ =	shalt  }
0x4f: {  	_ =	shalt  }
0x50: {  	_ =	shalt  }
0x51: {  	_ =	shalt  }
0x52: {  	_ =	shalt  }
0x53: {  	_ =	shalt  }
0x54: {  	_ =	shalt  }
0x55: {  	_ =	shalt  }
0x56: {  	_ =	shalt  }
0x57: {  	_ =	shalt  }
0x58: {  	_ =	shalt  }
0x59: {  	_ =	shalt  }
0x5a: {  	_ =	shalt  }
0x5b: {  	_ =	shalt  }
0x5c: {  	_ =	shalt  }
0x5d: {  	_ =	shalt  }
0x5e: {  	_ =	shalt  }
0x5f: {  	_ =	shalt  }
0x60: {  	_ =	shalt  }
0x61: {  	_ =	shalt  }
0x62: {  	_ =	shalt  }
0x63: {  	_ =	shalt  }
0x64: {  	_ =	shalt  }
0x65: {  	_ =	shalt  }
0x66: {  	_ =	shalt  }
0x67: {  	_ =	shalt  }
0x68: {  	_ =	shalt  }
0x69: {  	_ =	shalt  }
0x6a: {  	_ =	shalt  }
0x6b: {  	_ =	shalt  }
0x6c: {  	_ =	shalt  }
0x6d: {  	_ =	shalt  }
0x6e: {  	_ =	shalt  }
0x6f: {  	_ =	shalt  }
0x70: {  	_ =	shalt  }
0x71: {  	_ =	shalt  }
0x72: {  	_ =	shalt  }
0x73: {  	_ =	shalt  }
0x74: {  	_ =	shalt  }
0x75: {  	_ =	shalt  }
0x76: {  	_ =	shalt  }
0x77: {  	_ =	shalt  }
0x78: {  	_ =	shalt  }
0x79: {  	_ =	shalt  }
0x7a: {  	_ =	shalt  }
0x7b: {  	_ =	shalt  }
0x7c: {  	_ =	shalt  }
0x7d: {  	_ =	shalt  }
0x7e: {  	_ =	shalt  }
0x7f: {  	_ =	shalt  }
0x80: {  	_ =	shalt  }
0x81: {  	_ =	shalt  }
0x82: {  	_ =	shalt  }
0x83: {  	_ =	shalt  }
0x84: {  	_ =	shalt  }
0x85: {  	_ =	shalt  }
0x86: {  	_ =	shalt  }
0x87: {  	_ =	shalt  }
.Lfunc_end0:
.L_simem_size_0:
called_computation_lowered:
.L_overlay_start_0:
0x88: {  	s2 =	sld [smem:$0x3FD9]  }
0x89: {  	s3 =	sld [smem:$0x3FFE];
	_ =	sdelay $0x1  }
0x8a: {  	s1 =	srdreg.scid  }
0x8b: {  	s0 =	sand.u32 $0x1, s1  }
0x8c: {  	s18 =	sshll.u32 s0, $0xA;
	s2 =	sadd.s32 s3, s2  }
0x8d: {  	s2 =	sadd.s32 s2, s18  }
0x8e: {  	[smem:$0x3FC7] =	sst s2  }
0x8f: {  	_ = 	snop  }
0x90: {  	s2 =	sld [smem:$0x3FC9]  }
0x91: {  	s19 =	sld [smem:$0x3FD0];
	(tm) =	ssettm $0x1  }
0x92: {  	s4 =	sld [smem:$0x3FFB];
	_ =	sdelay $0x3  }
0x93: {  	_ =	strace s4  }
0x94: {  	s4 =	sld [smem:$0x3FFC];
	_ =	sdelay $0x3  }
0x95: {  	_ =	strace s4  }
0x96: {  	s4 =	sld [smem:$0x3FFD];
	_ =	sdelay $0x3  }
0x97: {  	_ =	strace s4  }
0x98: {  	_ =	strace $0x8FFFFFFF  }
0x99: {  	s20 =	sld [smem:$0x3FDB];
	_ =	sdelay $0x1  }
0x9a: {  	s5 =	simm.s32 $_scs_section_size  }
0x9b: {  	s6 =	simm.s32 $_size__tile_overlayer_lowered;
	s7 =	simm.s32 $_tile_overlayer_lowered  }
0x9c: {  	s23 =	simm.s32 $0x1BFF;
	s22 =	sshll.u32 s7, $0x1;
	s4 =	sadd.s32 s5, s20  }
0x9d: {  	s8 =	simm.s32 $0x0;
	s21 =	sshll.u32 s6, $0x1;
	s6 =	sadd.s32 s22, s4  }
0x9e: {  	[timem:s8], [sflag:s23] =	dma.local [hbm:s6], s21  }
0x9f: {  	_ =	swait.ge [sflag:s23], s21  }
0xa0: {  	s5 =	ssub.s32 $0x0, s21;
	[sflag:s23] =	ssyncset.done $0x0  }
0xa1: {  	[sflag:s23] =	ssyncadd.s32 s5;
	_ =	sdelay $0x1  }
0xa2: {  	s24 =	simm.s32 $0x1B8B  }
0xa3: {  	_ =	swait.ge [sflag:s24], $0x1  }
0xa4: {  	[sflag:s24] =	ssyncset.done $0x0  }
0xa5: {  	s25 =	simm.s32 $0x1B8E;
	[sflag:s24] =	ssyncadd.s32 $0xFFFFFFFF  }
0xa6: {  	s26 =	simm.s32 $execute0_lowered;
	[smem:$0x3FD2] =	sst s25  }
0xa7: {  	s5 =	sshll.u32 s26, $0x1;
	_ =	strace $0x80000046;
	[dreg:$0x1] =	wrdreg $0xFFFFFFFF  }
0xa8: {  	s28 =	simm.s32 $_size_execute0_lowered;
	s4 =	sadd.s32 s4, s5;
	[dreg:$0x0] =	wrdreg $0x0  }
0xa9: {  	s5 =	sshll.u32 s28, $0x1;
	[dreg:$0x2] =	wrdreg s4  }
0xaa: {  	[dreg:$0x3] =	wrdreg s5  }
0xab: {  	[dreg:$0x4] =	wrdreg $0xC0  }
0xac: {  	_ =	task [dreg:s8], $0x5FFFF  }
0xad: {  	[dreg:$0x1] =	wrdreg $0xFFFFFFFF  }
0xae: {  	[dreg:$0x0] =	wrdreg $0x60  }
0xaf: {  	[dreg:$0x2] =	wrdreg s2  }
0xb0: {  	[dreg:$0x3] =	wrdreg s19  }
0xb1: {  	[dreg:$0x4] =	wrdreg $0x9  }
0xb2: {  	_ =	task.clear_ibuf [dreg:s8], $0x5FFFF;
	_ =	strace $0x90000046  }
0xb3: {  	s29 =	simm.s32 $0x9;
	_ =	strace $0x80000048  }
0xb4: {  	_ =	swait.ge [sflag:s29], $0x1  }
0xb5: {  	[sflag:s29] =	ssyncadd.s32 $0xFFFFFFFF  }
0xb6: {  	_ =	strace $0x90000048  }
0xb7: {  	_ =	sfence  }
0xb8: {  	s30 =	sld [smem:$0x0];
	_ =	sdelay $0x2  }
0xb9: {  	s31 =	sshll.u32 s1, $0xD;
	s1 =	sshrl.u32 s1, $0x2  }
0xba: {  	s3 =	sand.u32 $0x4000, s31;
	s1 =	sadd.s32 s1, s30  }
0xbb: {  	s0 =	sor.u32 s3, s0;
	s1 =	sshll.u32 s1, $0x11  }
0xbc: {  	s0 =	sor.u32 s1, s0  }
0xbd: {  	s0 =	sadd.s32 $0x8F2B, s0  }
0xbe: {  	[sflag:s0] =	ssyncadd.remote.s32 $0x1  }
0xbf: {  	_ =	sfence.sel $0xFFFF  }
0xc0: {  	[dreg:$0x0] =	wrdreg $0xFFFFFFFF;
	(pc) =	sbr.abs _section_cstart, $3  }
0xc1: {  	[dreg:$0x1] =	wrdreg $0xFFFFFFFF  }
0xc2: {  	_ =	task.clear_ibuf [dreg:s8], $0x2FFFF;
	_ =	strace $0x9FFFFFFF  }
0xc3: {  	(tm) =	ssettm $0x7FFFFFFF  }
tec
execute0_lowered:
.L_overlay_start_1:
0x0: {  	(tag) =	ssettag $0x1  }
0x1: {  	s4 =	rddreg [dreg:$0x0]  }
0x2: {  	s5 =	rddreg [dreg:$0x1];
	s2 =	srdreg.scid  }
0x3: {  	s1 =	stileid.u32;
	s0 =	rddreg [dreg:$0x2];
	s9 =	simm.s32 $0x0  }
0x4: {  	s3 =	sand.u32 $0x1, s2;
	s6 =	sshll.u32 s1, $0x1;
	s2 =	simm.s32 $0x0  }
0x5: {  	s7 =	ssub.s32 $0x2, s3;
	s8 =	sor.u32 s3, s6;
	[smem:$0x7FF] =	sst s2  }
0x6: {  	s30 =	sshrl.u32 s7, $0x1;
	s6 =	smul.u32 $0x190, s8;
	_ =	strace $0x80000047  }
0x7: {  	s31 =	sshll.u32 s8, $0x4;
	p0 =	seq.s32 s8, $0x1F;
	s8 =	simm.s32 $0x1  }
0x8: {  	v1 =	vlaneseq.u32;
	s7 =	ssub.s32 s7, s30;
	s5 =	sadd.s32 s5, s31;
	s3 =	sadd.s32 s4, s6  }
0x9: {  	v0 =	vimm.f32 $0.0e+00;
	v2 =	vimm.f32 $1.000000000e+00;
	v1 =	vmul.u32 $0x80, v1;
	s4 =	sadd.s32 $0x3070, s4;
	s6 =	smax.u32 s7, $0x1;
	s7 =	simm.s32 $0xC80  }
.LBB2_1:
0xa: {  	s10 =	simm.s32 @p0 $0x0  }
0xb: {  	[tilespmem:s10], [sflag:$0x1] =	stream.linear.gather @p0 [hbm4b:s4+s10], $0x320, $0x38;
	[tilespmem:$0x1480] =	vst v63  }
0xc: {  	s10 =	simm.s32 @p0 $0x1  }
0xd: {  	_ =	swait.ge @p0 [sflag:s10], $0x320  }
0xe: {  	[sflag:s10] =	ssyncset.done @p0 $0x0  }
0xf: {  	[sflag:s10] =	ssyncadd.s32 @p0 $0xFFFFFCE0;
	s10 =	simm.s32 @!p0 $0x0  }
0x10: {  	[tilespmem:s10], [sflag:$0x1] =	stream.linear.gather @!p0 [hbm4b:s3+s10], $0xC80, $0x38;
	[tilespmem:$0x1480] =	vst v63  }
0x11: {  	s10 =	simm.s32 @!p0 $0x1  }
0x12: {  	_ =	swait.ge @!p0 [sflag:s10], $0xC80  }
0x13: {  	[sflag:s10] =	ssyncset.done @!p0 $0x0  }
0x14: {  	[sflag:s10] =	ssyncadd.s32 @!p0 $0xFFFFF380  }
0x15: {  	[tilespmem:$0xC80] =	vst v0  }
0x16: {  	[tilespmem:$0xC90] =	vst v0  }
0x17: {  	[tilespmem:$0xCA0] =	vst v0  }
0x18: {  	[tilespmem:$0xCB0] =	vst v0  }
0x19: {  	[tilespmem:$0xCC0] =	vst v0  }
0x1a: {  	[tilespmem:$0xCD0] =	vst v0  }
0x1b: {  	[tilespmem:$0xCE0] =	vst v0  }
0x1c: {  	[tilespmem:$0xCF0] =	vst v0  }
0x1d: {  	[tilespmem:$0xD00] =	vst v0  }
0x1e: {  	[tilespmem:$0xD10] =	vst v0  }
0x1f: {  	[tilespmem:$0xD20] =	vst v0  }
0x20: {  	[tilespmem:$0xD30] =	vst v0  }
0x21: {  	[tilespmem:$0xD40] =	vst v0  }
0x22: {  	[tilespmem:$0xD50] =	vst v0  }
0x23: {  	[tilespmem:$0xD60] =	vst v0  }
0x24: {  	[tilespmem:$0xD70] =	vst v0  }
0x25: {  	[tilespmem:$0xD80] =	vst v0  }
0x26: {  	[tilespmem:$0xD90] =	vst v0  }
0x27: {  	[tilespmem:$0xDA0] =	vst v0  }
0x28: {  	[tilespmem:$0xDB0] =	vst v0  }
0x29: {  	[tilespmem:$0xDC0] =	vst v0  }
0x2a: {  	[tilespmem:$0xDD0] =	vst v0  }
0x2b: {  	[tilespmem:$0xDE0] =	vst v0  }
0x2c: {  	[tilespmem:$0xDF0] =	vst v0  }
0x2d: {  	[tilespmem:$0xE00] =	vst v0  }
0x2e: {  	[tilespmem:$0xE10] =	vst v0  }
0x2f: {  	[tilespmem:$0xE20] =	vst v0  }
0x30: {  	[tilespmem:$0xE30] =	vst v0  }
0x31: {  	[tilespmem:$0xE40] =	vst v0  }
0x32: {  	[tilespmem:$0xE50] =	vst v0  }
0x33: {  	[tilespmem:$0xE60] =	vst v0  }
0x34: {  	[tilespmem:$0xE70] =	vst v0  }
0x35: {  	[tilespmem:$0xE80] =	vst v0  }
0x36: {  	[tilespmem:$0xE90] =	vst v0  }
0x37: {  	[tilespmem:$0xEA0] =	vst v0  }
0x38: {  	[tilespmem:$0xEB0] =	vst v0  }
0x39: {  	[tilespmem:$0xEC0] =	vst v0  }
0x3a: {  	[tilespmem:$0xED0] =	vst v0  }
0x3b: {  	[tilespmem:$0xEE0] =	vst v0  }
0x3c: {  	[tilespmem:$0xEF0] =	vst v0  }
0x3d: {  	[tilespmem:$0xF00] =	vst v0  }
0x3e: {  	[tilespmem:$0xF10] =	vst v0  }
0x3f: {  	[tilespmem:$0xF20] =	vst v0  }
0x40: {  	[tilespmem:$0xF30] =	vst v0  }
0x41: {  	[tilespmem:$0xF40] =	vst v0  }
0x42: {  	[tilespmem:$0xF50] =	vst v0  }
0x43: {  	[tilespmem:$0xF60] =	vst v0  }
0x44: {  	[tilespmem:$0xF70] =	vst v0  }
0x45: {  	[tilespmem:$0xF80] =	vst v0  }
0x46: {  	[tilespmem:$0xF90] =	vst v0  }
0x47: {  	[tilespmem:$0xFA0] =	vst v0  }
0x48: {  	[tilespmem:$0xFB0] =	vst v0  }
0x49: {  	[tilespmem:$0xFC0] =	vst v0  }
0x4a: {  	[tilespmem:$0xFD0] =	vst v0  }
0x4b: {  	[tilespmem:$0xFE0] =	vst v0  }
0x4c: {  	[tilespmem:$0xFF0] =	vst v0  }
0x4d: {  	[tilespmem:$0x1000] =	vst v0  }
0x4e: {  	[tilespmem:$0x1010] =	vst v0  }
0x4f: {  	[tilespmem:$0x1020] =	vst v0  }
0x50: {  	[tilespmem:$0x1030] =	vst v0  }
0x51: {  	[tilespmem:$0x1040] =	vst v0  }
0x52: {  	[tilespmem:$0x1050] =	vst v0  }
0x53: {  	[tilespmem:$0x1060] =	vst v0  }
0x54: {  	[tilespmem:$0x1070] =	vst v0  }
0x55: {  	[tilespmem:$0x1080] =	vst v0  }
0x56: {  	[tilespmem:$0x1090] =	vst v0  }
0x57: {  	[tilespmem:$0x10A0] =	vst v0  }
0x58: {  	[tilespmem:$0x10B0] =	vst v0  }
0x59: {  	[tilespmem:$0x10C0] =	vst v0  }
0x5a: {  	[tilespmem:$0x10D0] =	vst v0  }
0x5b: {  	[tilespmem:$0x10E0] =	vst v0  }
0x5c: {  	[tilespmem:$0x10F0] =	vst v0  }
0x5d: {  	[tilespmem:$0x1100] =	vst v0  }
0x5e: {  	[tilespmem:$0x1110] =	vst v0  }
0x5f: {  	[tilespmem:$0x1120] =	vst v0  }
0x60: {  	[tilespmem:$0x1130] =	vst v0  }
0x61: {  	[tilespmem:$0x1140] =	vst v0  }
0x62: {  	[tilespmem:$0x1150] =	vst v0  }
0x63: {  	[tilespmem:$0x1160] =	vst v0  }
0x64: {  	[tilespmem:$0x1170] =	vst v0  }
0x65: {  	[tilespmem:$0x1180] =	vst v0  }
0x66: {  	[tilespmem:$0x1190] =	vst v0  }
0x67: {  	[tilespmem:$0x11A0] =	vst v0  }
0x68: {  	[tilespmem:$0x11B0] =	vst v0  }
0x69: {  	[tilespmem:$0x11C0] =	vst v0  }
0x6a: {  	[tilespmem:$0x11D0] =	vst v0  }
0x6b: {  	[tilespmem:$0x11E0] =	vst v0  }
0x6c: {  	[tilespmem:$0x11F0] =	vst v0  }
0x6d: {  	[tilespmem:$0x1200] =	vst v0  }
0x6e: {  	[tilespmem:$0x1210] =	vst v0  }
0x6f: {  	[tilespmem:$0x1220] =	vst v0  }
0x70: {  	[tilespmem:$0x1230] =	vst v0  }
0x71: {  	[tilespmem:$0x1240] =	vst v0  }
0x72: {  	[tilespmem:$0x1250] =	vst v0  }
0x73: {  	[tilespmem:$0x1260] =	vst v0  }
0x74: {  	[tilespmem:$0x1270] =	vst v0  }
0x75: {  	[tilespmem:$0x1280] =	vst v0  }
0x76: {  	[tilespmem:$0x1290] =	vst v0  }
0x77: {  	[tilespmem:$0x12A0] =	vst v0  }
0x78: {  	[tilespmem:$0x12B0] =	vst v0  }
0x79: {  	[tilespmem:$0x12C0] =	vst v0  }
0x7a: {  	[tilespmem:$0x12D0] =	vst v0  }
0x7b: {  	[tilespmem:$0x12E0] =	vst v0  }
0x7c: {  	[tilespmem:$0x12F0] =	vst v0  }
0x7d: {  	[tilespmem:$0x1300] =	vst v0  }
0x7e: {  	[tilespmem:$0x1310] =	vst v0  }
0x7f: {  	[tilespmem:$0x1320] =	vst v0  }
0x80: {  	[tilespmem:$0x1330] =	vst v0  }
0x81: {  	[tilespmem:$0x1340] =	vst v0  }
0x82: {  	[tilespmem:$0x1350] =	vst v0  }
0x83: {  	[tilespmem:$0x1360] =	vst v0  }
0x84: {  	[tilespmem:$0x1370] =	vst v0  }
0x85: {  	[tilespmem:$0x1380] =	vst v0  }
0x86: {  	[tilespmem:$0x1390] =	vst v0  }
0x87: {  	[tilespmem:$0x13A0] =	vst v0  }
0x88: {  	[tilespmem:$0x13B0] =	vst v0  }
0x89: {  	[tilespmem:$0x13C0] =	vst v0  }
0x8a: {  	[tilespmem:$0x13D0] =	vst v0  }
0x8b: {  	[tilespmem:$0x13E0] =	vst v0  }
0x8c: {  	[tilespmem:$0x13F0] =	vst v0  }
0x8d: {  	[tilespmem:$0x1400] =	vst v0  }
0x8e: {  	[tilespmem:$0x1410] =	vst v0  }
0x8f: {  	[tilespmem:$0x1420] =	vst v0  }
0x90: {  	[tilespmem:$0x1430] =	vst v0  }
0x91: {  	[tilespmem:$0x1440] =	vst v0  }
0x92: {  	[tilespmem:$0x1450] =	vst v0  }
0x93: {  	s10 =	simm.s32 @!p0 $0x28;
	[tilespmem:$0x1460] =	vst v0  }
0x94: {  	s11 =	simm.s32 $0x20;
	s10 =	simm.s32 @p0 $0xA;
	[tilespmem:$0x1470] =	vst v0  }
.LBB2_2:
0x95: {  	v3 =	vld [tilespmem:s11+$0xFFFFFFE0];
	_ =	sdelay $0x4  }
0x96: {  	v3 =	vadd.s32 v1, v3;
	_ =	sdelay $0x4  }
0x97: {  	[tilespmem:v3+s7+$0x0] =	vst.idx.add.f32.msk $0xffff, v2  }
0x98: {  	v3 =	vld [tilespmem:s11+$0xFFFFFFF0];
	_ =	sdelay $0x4  }
0x99: {  	v3 =	vadd.s32 v1, v3;
	_ =	sdelay $0x4  }
0x9a: {  	[tilespmem:v3+s7+$0x0] =	vst.idx.add.f32.msk $0xffff, v2  }
0x9b: {  	v3 =	vld [tilespmem:s11+$0x0];
	_ =	sdelay $0x4  }
0x9c: {  	v3 =	vadd.s32 v1, v3;
	_ =	sdelay $0x4  }
0x9d: {  	[tilespmem:v3+s7+$0x0] =	vst.idx.add.f32.msk $0xffff, v2  }
0x9e: {  	v3 =	vld [tilespmem:s11+$0x10];
	_ =	sdelay $0x4  }
0x9f: {  	v3 =	vadd.s32 v1, v3;
	_ =	sdelay $0x4  }
0xa0: {  	[tilespmem:v3+s7+$0x0] =	vst.idx.add.f32.msk $0xffff, v2  }
0xa1: {  	v3 =	vld [tilespmem:s11+$0x20];
	_ =	sdelay $0x4  }
0xa2: {  	p1 =	sne.s32 s10, $0x1;
	v3 =	vadd.s32 v1, v3  }
.Ltmp0:
0xa3: {  	_ = 	snop;
	(pc) =	sbr.rel @p1 .LBB2_2-.Ltmp0, $2  }
0xa4: {  	_ =	sdelay $0x2  }
0xa5: {  	s10 =	sadd.s32 $0xFFFFFFFF, s10;
	s11 =	sadd.s32 $0x50, s11;
	[tilespmem:v3+s7+$0x0] =	vst.idx.add.f32.msk $0xffff, v2  }
0xa6: {  	v3 =	vld [tilespmem:$0xC80]  }
0xa7: {  	v4 =	vld [tilespmem:$0xD00]  }
0xa8: {  	v5 =	vld [tilespmem:$0xC90]  }
0xa9: {  	v6 =	vld [tilespmem:$0xD10]  }
0xaa: {  	v7 =	vld [tilespmem:$0xCA0]  }
0xab: {  	v8 =	vld [tilespmem:$0xD20]  }
0xac: {  	v9 =	vld [tilespmem:$0xCB0]  }
0xad: {  	v10 =	vld [tilespmem:$0xD30]  }
0xae: {  	v11 =	vld [tilespmem:$0xCC0]  }
0xaf: {  	v12 =	vld [tilespmem:$0xD40]  }
0xb0: {  	v13 =	vld [tilespmem:$0xCD0]  }
0xb1: {  	v14 =	vld [tilespmem:$0xD50]  }
0xb2: {  	v15 =	vld [tilespmem:$0xCE0]  }
0xb3: {  	v16 =	vld [tilespmem:$0xD60]  }
0xb4: {  	v17 =	vld [tilespmem:$0xCF0]  }
0xb5: {  	v18 =	vld [tilespmem:$0xD70]  }
0xb6: {  	v19 =	vld [tilespmem:$0xD80]  }
0xb7: {  	v20 =	vld [tilespmem:$0xD90]  }
0xb8: {  	v21 =	vld [tilespmem:$0xDA0]  }
0xb9: {  	v22 =	vld [tilespmem:$0xDB0]  }
0xba: {  	v23 =	vld [tilespmem:$0xDC0]  }
0xbb: {  	v24 =	vld [tilespmem:$0xDD0]  }
0xbc: {  	v25 =	vld [tilespmem:$0xDE0]  }
0xbd: {  	v26 =	vld [tilespmem:$0xDF0]  }
0xbe: {  	v27 =	vld [tilespmem:$0xE00]  }
0xbf: {  	v28 =	vld [tilespmem:$0xE10]  }
0xc0: {  	v29 =	vld [tilespmem:$0xE20]  }
0xc1: {  	v30 =	vld [tilespmem:$0xE30]  }
0xc2: {  	v31 =	vld [tilespmem:$0xE40]  }
0xc3: {  	v32 =	vld [tilespmem:$0xE50]  }
0xc4: {  	v33 =	vld [tilespmem:$0xE60]  }
0xc5: {  	v34 =	vld [tilespmem:$0xE70]  }
0xc6: {  	v35 =	vld [tilespmem:$0xE80]  }
0xc7: {  	v36 =	vld [tilespmem:$0xE90]  }
0xc8: {  	v37 =	vld [tilespmem:$0xEA0]  }
0xc9: {  	v38 =	vld [tilespmem:$0xEB0]  }
0xca: {  	v39 =	vld [tilespmem:$0xEC0]  }
0xcb: {  	v40 =	vld [tilespmem:$0xED0]  }
0xcc: {  	v41 =	vld [tilespmem:$0xEE0]  }
0xcd: {  	v42 =	vld [tilespmem:$0xEF0]  }
0xce: {  	v43 =	vld [tilespmem:$0xF00]  }
0xcf: {  	v44 =	vld [tilespmem:$0xF10]  }
0xd0: {  	v45 =	vld [tilespmem:$0xF20]  }
0xd1: {  	v46 =	vld [tilespmem:$0xF30]  }
0xd2: {  	v47 =	vld [tilespmem:$0xF40]  }
0xd3: {  	v48 =	vld [tilespmem:$0xF50]  }
0xd4: {  	v49 =	vld [tilespmem:$0xF60]  }
0xd5: {  	v50 =	vld [tilespmem:$0xF70]  }
0xd6: {  	v51 =	vld [tilespmem:$0xF80]  }
0xd7: {  	v52 =	vld [tilespmem:$0xF90]  }
0xd8: {  	v53 =	vld [tilespmem:$0xFA0]  }
0xd9: {  	v54 =	vld [tilespmem:$0xFB0]  }
0xda: {  	v55 =	vld [tilespmem:$0xFC0]  }
0xdb: {  	v56 =	vld [tilespmem:$0xFD0]  }
0xdc: {  	v57 =	vld [tilespmem:$0xFE0]  }
0xdd: {  	v58 =	vld [tilespmem:$0xFF0]  }
0xde: {  	v63 =	vld [tilespmem:$0x1040]  }
0xdf: {  	v59 =	vld [tilespmem:$0x1000]  }
0xe0: {  	v60 =	vld [tilespmem:$0x1010]  }
0xe1: {  	v61 =	vld [tilespmem:$0x1020]  }
0xe2: {  	v62 =	vld [tilespmem:$0x1030]  }
0xe3: {  	[tilespmem:$0x1FF50] =	vst v63;
	v63 =	vld [tilespmem:$0x1050]  }
0xe4: {  	v3 =	vadd.f32 v4, v3;
	v4 =	vadd.f32 v6, v5;
	v5 =	vld [tilespmem:$0x1100]  }
0xe5: {  	v6 =	vadd.f32 v8, v7;
	v8 =	vld [tilespmem:$0x1110]  }
0xe6: {  	v7 =	vadd.f32 v10, v9;
	v9 =	vadd.f32 v12, v11;
	v11 =	vld [tilespmem:$0x1120]  }
0xe7: {  	v10 =	vadd.f32 v14, v13;
	v14 =	vld [tilespmem:$0x1130]  }
0xe8: {  	v12 =	vadd.f32 v16, v15;
	v15 =	vld [tilespmem:$0x1140]  }
0xe9: {  	v16 =	vld [tilespmem:$0x1150]  }
0xea: {  	v13 =	vadd.f32 v18, v17;
	v17 =	vld [tilespmem:$0x1160]  }
0xeb: {  	v18 =	vld [tilespmem:$0x1170]  }
0xec: {  	v3 =	vadd.f32 v19, v3;
	v19 =	vld [tilespmem:$0x1180]  }
0xed: {  	v4 =	vadd.f32 v20, v4;
	v20 =	vld [tilespmem:$0x1190]  }
0xee: {  	v6 =	vadd.f32 v21, v6;
	v21 =	vld [tilespmem:$0x11A0]  }
0xef: {  	v7 =	vadd.f32 v22, v7;
	v22 =	vld [tilespmem:$0x11B0]  }
0xf0: {  	v9 =	vadd.f32 v23, v9;
	v23 =	vld [tilespmem:$0x11C0]  }
0xf1: {  	[tilespmem:$0x1FF60] =	vst v63;
	v63 =	vld [tilespmem:$0x1060]  }
0xf2: {  	v10 =	vadd.f32 v24, v10;
	v24 =	vld [tilespmem:$0x11D0]  }
0xf3: {  	v12 =	vadd.f32 v25, v12;
	v25 =	vld [tilespmem:$0x11E0]  }
0xf4: {  	v13 =	vadd.f32 v26, v13;
	v26 =	vld [tilespmem:$0x11F0]  }
0xf5: {  	v3 =	vadd.f32 v27, v3;
	v27 =	vld [tilespmem:$0x1200]  }
0xf6: {  	[tilespmem:$0x1FF70] =	vst v63;
	v63 =	vld [tilespmem:$0x1070]  }
0xf7: {  	v4 =	vadd.f32 v28, v4;
	v28 =	vld [tilespmem:$0x1210]  }
0xf8: {  	v6 =	vadd.f32 v29, v6;
	v29 =	vld [tilespmem:$0x1220]  }
0xf9: {  	v7 =	vadd.f32 v30, v7;
	v30 =	vld [tilespmem:$0x1230]  }
0xfa: {  	v9 =	vadd.f32 v31, v9;
	v31 =	vld [tilespmem:$0x1240]  }
0xfb: {  	[tilespmem:$0x1FF80] =	vst v63;
	v63 =	vld [tilespmem:$0x1080]  }
0xfc: {  	v10 =	vadd.f32 v32, v10;
	v32 =	vld [tilespmem:$0x1250]  }
0xfd: {  	v12 =	vadd.f32 v33, v12;
	v33 =	vld [tilespmem:$0x1260]  }
0xfe: {  	v13 =	vadd.f32 v34, v13;
	v34 =	vld [tilespmem:$0x1270]  }
0xff: {  	v3 =	vadd.f32 v35, v3;
	v35 =	vld [tilespmem:$0x1280]  }
0x100: {  	[tilespmem:$0x1FF90] =	vst v63;
	v63 =	vld [tilespmem:$0x1090]  }
0x101: {  	v4 =	vadd.f32 v36, v4;
	v36 =	vld [tilespmem:$0x1290]  }
0x102: {  	v13 =	vadd.f32 v42, v13;
	v42 =	vld [tilespmem:$0x1FF50]  }
0x103: {  	v6 =	vadd.f32 v37, v6;
	v37 =	vld [tilespmem:$0x12A0]  }
0x104: {  	v7 =	vadd.f32 v38, v7;
	v38 =	vld [tilespmem:$0x12B0]  }
0x105: {  	[tilespmem:$0x1FFA0] =	vst v63;
	v63 =	vld [tilespmem:$0x10A0]  }
0x106: {  	v9 =	vadd.f32 v39, v9;
	v39 =	vld [tilespmem:$0x12C0]  }
0x107: {  	v3 =	vadd.f32 v43, v3;
	v6 =	vadd.f32 v45, v6;
	v43 =	vld [tilespmem:$0x1FF60]  }
0x108: {  	v10 =	vadd.f32 v40, v10;
	v13 =	vadd.f32 v50, v13;
	v50 =	vld [tilespmem:$0x12D0]  }
0x109: {  	v9 =	vadd.f32 v47, v9;
	v6 =	vadd.f32 v53, v6;
	v53 =	vld [tilespmem:$0x12E0]  }
0x10a: {  	v12 =	vadd.f32 v41, v12;
	[tilespmem:$0x1FFB0] =	vst v63;
	v63 =	vld [tilespmem:$0x10B0]  }
0x10b: {  	v10 =	vadd.f32 v48, v10;
	v9 =	vadd.f32 v55, v9;
	v55 =	vld [tilespmem:$0x12F0]  }
0x10c: {  	v4 =	vadd.f32 v44, v4;
	v7 =	vadd.f32 v46, v7;
	v46 =	vld [tilespmem:$0x1FF90]  }
0x10d: {  	v3 =	vadd.f32 v51, v3;
	v10 =	vadd.f32 v56, v10;
	v56 =	vld [tilespmem:$0x1300]  }
0x10e: {  	v12 =	vadd.f32 v49, v12;
	v44 =	vld [tilespmem:$0x1FF70]  }
0x10f: {  	v4 =	vadd.f32 v52, v4;
	v3 =	vadd.f32 v59, v3;
	[tilespmem:$0x1FFC0] =	vst v63;
	v63 =	vld [tilespmem:$0x10C0]  }
0x110: {  	v7 =	vadd.f32 v54, v7;
	v12 =	vadd.f32 v57, v12;
	v47 =	vld [tilespmem:$0x1FFA0]  }
0x111: {  	v13 =	vadd.f32 v58, v13;
	v3 =	vadd.f32 v46, v3;
	v48 =	vld [tilespmem:$0x1FFB0]  }
0x112: {  	v57 =	vld [tilespmem:$0x1310];
	v4 =	vadd.f32 v60, v4;
	v6 =	vadd.f32 v61, v6  }
0x113: {  	v7 =	vadd.f32 v62, v7;
	v45 =	vld [tilespmem:$0x1FF80];
	v3 =	vadd.f32 v5, v3  }
0x114: {  	v9 =	vadd.f32 v42, v9;
	v10 =	vadd.f32 v43, v10;
	[tilespmem:$0x1FFD0] =	vst v63;
	v63 =	vld [tilespmem:$0x10D0]  }
0x115: {  	v3 =	vadd.f32 v19, v3;
	v4 =	vadd.f32 v47, v4;
	v49 =	vld [tilespmem:$0x1FFC0]  }
0x116: {  	v58 =	vld [tilespmem:$0x1320];
	v12 =	vadd.f32 v44, v12;
	v6 =	vadd.f32 v48, v6  }
0x117: {  	v59 =	vld [tilespmem:$0x1330];
	v3 =	vadd.f32 v27, v3;
	v4 =	vadd.f32 v8, v4  }
0x118: {  	v43 =	vld [tilespmem:$0x1380];
	v13 =	vadd.f32 v45, v13;
	v6 =	vadd.f32 v11, v6  }
0x119: {  	v3 =	vadd.f32 v35, v3;
	v4 =	vadd.f32 v20, v4;
	[tilespmem:$0x1FFE0] =	vst v63;
	v63 =	vld [tilespmem:$0x10E0]  }
0x11a: {  	v6 =	vadd.f32 v21, v6;
	v7 =	vadd.f32 v49, v7;
	v51 =	vld [tilespmem:$0x1FFD0]  }
0x11b: {  	v60 =	vld [tilespmem:$0x1340];
	v3 =	vadd.f32 v56, v3;
	v4 =	vadd.f32 v28, v4  }
0x11c: {  	v44 =	vld [tilespmem:$0x1390];
	v6 =	vadd.f32 v29, v6;
	v7 =	vadd.f32 v14, v7  }
0x11d: {  	v45 =	vld [tilespmem:$0x13A0];
	v3 =	vadd.f32 v43, v3;
	v4 =	vadd.f32 v36, v4  }
0x11e: {  	v6 =	vadd.f32 v37, v6;
	v7 =	vadd.f32 v22, v7;
	v52 =	vld [tilespmem:$0x1FFE0];
	[tilespmem:$0x1FFF0] =	vst v63  }
0x11f: {  	v4 =	vadd.f32 v57, v4;
	v9 =	vadd.f32 v51, v9;
	v54 =	vld [tilespmem:$0x1FFF0]  }
0x120: {  	v51 =	vld [tilespmem:$0x1400];
	v6 =	vadd.f32 v58, v6;
	v7 =	vadd.f32 v30, v7  }
0x121: {  	v4 =	vadd.f32 v44, v4;
	v9 =	vadd.f32 v15, v9;
	v63 =	vld [tilespmem:$0x10F0]  }
0x122: {  	v61 =	vld [tilespmem:$0x1350];
	v6 =	vadd.f32 v45, v6;
	v7 =	vadd.f32 v38, v7  }
0x123: {  	v62 =	vld [tilespmem:$0x1360];
	v9 =	vadd.f32 v23, v9;
	v10 =	vadd.f32 v52, v10  }
0x124: {  	v46 =	vld [tilespmem:$0x13B0];
	v7 =	vadd.f32 v59, v7;
	v12 =	vadd.f32 v54, v12  }
0x125: {  	v47 =	vld [tilespmem:$0x13C0];
	v3 =	vadd.f32 v51, v3;
	v10 =	vadd.f32 v16, v10  }
0x126: {  	v48 =	vld [tilespmem:$0x13D0];
	v13 =	vadd.f32 v63, v13;
	v12 =	vadd.f32 v17, v12  }
0x127: {  	v56 =	vld [tilespmem:$0x1450];
	v9 =	vadd.f32 v31, v9;
	v10 =	vadd.f32 v24, v10  }
0x128: {  	v52 =	vld [tilespmem:$0x1410];
	v13 =	vadd.f32 v18, v13;
	v12 =	vadd.f32 v25, v12  }
0x129: {  	v49 =	vld [tilespmem:$0x13E0];
	v7 =	vadd.f32 v46, v7;
	v10 =	vadd.f32 v32, v10  }
0x12a: {  	v54 =	vld [tilespmem:$0x1430];
	v13 =	vadd.f32 v26, v13;
	v12 =	vadd.f32 v33, v12  }
0x12b: {  	v9 =	vadd.f32 v39, v9;
	v63 =	vld [tilespmem:$0x1370];
	v10 =	vadd.f32 v50, v10  }
0x12c: {  	v13 =	vadd.f32 v34, v13;
	v12 =	vadd.f32 v53, v12;
	v53 =	vld [tilespmem:$0x1420]  }
0x12d: {  	v9 =	vadd.f32 v60, v9;
	v4 =	vadd.f32 v52, v4;
	v50 =	vld [tilespmem:$0x13F0]  }
0x12e: {  	v10 =	vadd.f32 v61, v10;
	v13 =	vadd.f32 v55, v13;
	v55 =	vld [tilespmem:$0x1440]  }
0x12f: {  	v58 =	vld [tilespmem:$0x1470];
	v9 =	vadd.f32 v47, v9;
	v59 =	vadd.f32 v54, v7  }
0x130: {  	v57 =	vld [tilespmem:$0x1460];
	[tilespmem:$0xC80] =	vst v3;
	v10 =	vadd.f32 v48, v10;
	v13 =	vadd.f32 v63, v13  }
0x131: {  	[tilespmem:$0xC90] =	vst v4;
	v12 =	vadd.f32 v62, v12;
	v3 =	vadd.f32 v53, v6  }
0x132: {  	[tilespmem:$0xCB0] =	vst v59;
	v62 =	vadd.f32 v56, v10;
	v61 =	vadd.f32 v50, v13  }
0x133: {  	v60 =	vadd.f32 v49, v12;
	[tilespmem:$0xCA0] =	vst v3;
	v3 =	vadd.f32 v55, v9  }
0x134: {  	[tilespmem:$0xCD0] =	vst v62;
	v63 =	vadd.f32 v58, v61  }
0x135: {  	s9 =	sadd.s32 $0x1, s9;
	[tilespmem:$0xCC0] =	vst v3;
	v3 =	vadd.f32 v57, v60  }
0x136: {  	p1 =	sne.s32 s9, s6;
	[tilespmem:$0xCF0] =	vst v63  }
.Ltmp1:
0x137: {  	[tilespmem:$0xCE0] =	vst v3;
	(pc) =	sbr.rel @p1 .LBB2_1-.Ltmp1, $4  }
0x138: {  	[hbm4b:s5+s2] =	stream.linear.scatter [tilespmem:s7], [sflag:$0x1], $0x80, $0x38;
	[tilespmem:$0x1480] =	vst v63  }
0x139: {  	_ =	swait.ge [sflag:s8], $0x80  }
0x13a: {  	[sflag:s8] =	ssyncset.done $0x0  }
0x13b: {  	[sflag:s8] =	ssyncadd.s32 $0xFFFFFF80  }
0x13c: {  	_ =	sfence.sel $0x180000  }
0x13d: {  	[bflag:$0x0] =	sbarrier.arrive $0xFFFF  }
0x13e: {  	p0 =	sne.s32 s1, $0x0;
	_ =	strace $0x90000047  }
0x13f: {  	s0 =	sadd.s32 @!p0 $0x100000, s0;
	[bflag:$0x2] =	sbarrier.arrive $0xFFFF  }
0x140: {  	[sflag:s0] =	ssyncadd.tile.s32 @!p0 $0x1;
	_ =	shalt  }
.Lfunc_end2:
_tile_overlayer_lowered:
.L_overlay_start_2:
0x141: {  	(tag) =	ssettag $0x2  }
0x142: {  	s0 =	rddreg [dreg:$0x0];
	s2 =	stileid.u32  }
0x143: {  	s1 =	rddreg [dreg:$0x1];
	p0 =	sne.s32 s2, $0x0  }
0x144: {  	s3 =	rddreg [dreg:$0x2];
	[bflag:$0x3] =	sbarrier.arrive $0xFFFF;
	s2 =	simm.s32 @!p0 $0x1C01  }
0x145: {  	[timem:s3], [sflag:s2] =	dma.local @!p0 [hbm:s0], s1  }
0x146: {  	s0 =	simm.s32 @!p0 $0x1  }
0x147: {  	_ =	swait.ge @!p0 [sflag:s0], s1  }
0x148: {  	s1 =	ssub.s32 @!p0 $0x0, s1;
	[sflag:s0] =	ssyncset.done @!p0 $0x0  }
0x149: {  	[sflag:s0] =	ssyncadd.s32 @!p0 s1  }
0x14a: {  	[bflag:$0x3] =	sbarrier.arrive $0xFFFF  }
0x14b: {  	_ =	shalt  }

</sc_bundles>
